<compile_context>
chip_gen: v7x
topology: tpu7x:2x2x1
jax: 0.10.2.dev20260603
libtpu: 0.0.44.dev20260713+nightly
codegen_flags: <defaults>
</compile_context>

<pallas_src>
import functools

import jax
import jax.numpy as jnp
from jax import lax
from jax.experimental import pallas as pl
from jax.experimental.pallas import tpu as pltpu
from jax.experimental.pallas import tpu_sc as plsc

_ROWS = 1000000
_COLS = 64
_B = 16384
_N = _B * _COLS
_NC = 2
_NS = 16
_NW = _NC * _NS
_PER_W = _N // _NW
_CHUNK = 128
_NCH = _PER_W // _CHUNK
_FIRE = 8
_L = 16


def _body(data_hbm, idx_hbm, out_hbm, idx_v, val_v, sem):
    wid = lax.axis_index("s") * _NC + lax.axis_index("c")

    pltpu.sync_copy(idx_hbm.at[wid], idx_v)

    lane = lax.iota(jnp.int32, _L)

    def _addr(ch):
        for s in range(_CHUNK // _L):
            col = (s % 4) * _L
            sl = (ch, pl.ds(s * _L, _L))
            idx_v[sl] = lax.shift_left(idx_v[sl], 7) + (lane + col)

    def _dbl(ch):
        for s in range(_CHUNK // _L):
            sl = (ch, pl.ds(s * _L, _L))
            val_v[sl] = val_v[sl] * 2.0

    @pl.loop(0, _FIRE)
    def _pro(ch):
        _addr(ch)

    ngrp = _NCH // _FIRE

    @pl.loop(0, ngrp)
    def _gather(g):
        descs = []
        for b in range(_FIRE):
            ch = g * _FIRE + b
            descs.append(
                pltpu.async_copy(data_hbm.at[idx_v.at[ch]], val_v.at[ch], sem)
            )

        @pl.when(g + 1 < ngrp)
        def _a():
            @pl.loop((g + 1) * _FIRE, (g + 2) * _FIRE)
            def _aa(ch):
                _addr(ch)

        @pl.when(g >= 1)
        def _d():
            @pl.loop((g - 1) * _FIRE, g * _FIRE)
            def _dd(ch):
                _dbl(ch)

        for d in descs:
            d.wait()

    @pl.loop((ngrp - 1) * _FIRE, ngrp * _FIRE)
    def _epi(ch):
        _dbl(ch)

    pltpu.sync_copy(val_v, out_hbm.at[wid])


@jax.jit
def _run(data_flat, idx3):
    mesh = plsc.VectorSubcoreMesh(core_axis_name="c", subcore_axis_name="s")
    k = functools.partial(
        pl.kernel,
        out_type=jax.ShapeDtypeStruct((_NW, _NCH, _CHUNK), jnp.float32),
        mesh=mesh,
        scratch_types=[
            pltpu.VMEM((_NCH, _CHUNK), jnp.int32),
            pltpu.VMEM((_NCH, _CHUNK), jnp.float32),
            pltpu.SemaphoreType.DMA,
        ],
    )(_body)
    return k(data_flat, idx3)


def kernel(data, indices):
    data_pad = jnp.pad(data, ((0, 0), (0, 64)))
    data_flat = data_pad.reshape(_ROWS * 128)
    idx3 = indices.astype(jnp.int32).reshape(_NW, _NCH, _CHUNK)
    out = _run(data_flat, idx3)
    return out.reshape(_B, _COLS)

# --- scband reference (transcript-rebuilt; emitter-appended) ---
"""Pipeline reference for scband-simple-gather-module-57372173140067 (READ-ONLY COPY).

The authoritative reference and input builder live on the scoring server;
editing this copy changes nothing except your own understanding.
"""

import jax, jax.numpy as jnp
import numpy as np


def setup_inputs(seed: int = 0) -> dict:
    key = jax.random.key(seed)
    k1, k2 = jax.random.split(key)
    data = jax.random.normal(k1, (1000000, 64), dtype=jnp.float32)
    indices = jax.random.randint(k2, (16384, 64), 0, 1000000).astype(jnp.int64)
    return {"data": data, "indices": indices}


def reference(data, indices):
    # torch.gather(data + data, 0, indices) == take_along_axis along axis 0
    return jnp.take_along_axis(data + data, indices, axis=0)

if __name__ == "__main__":
    import jax
    _d = setup_inputs()
    print(jax.jit(kernel)(*tuple(_d.values())))

</pallas_src>

<mosaic_0001>
#map = affine_map<(d0, d1) -> (0)>
#map1 = affine_map<(d0, d1) -> (0, 0, 0)>
module attributes {stable_mosaic.version = 14 : i64} {
  func.func @_body(%arg0: i32, %arg1: i32, %arg2: memref<128000000xf32, #tpu.memory_space<hbm>>, %arg3: memref<32x256x128xi32, #tpu.memory_space<hbm>>, %arg4: memref<32x256x128xf32, #tpu.memory_space<hbm>>, %arg5: memref<256x128xi32, #tpu.memory_space<vmem>>, %arg6: memref<256x128xf32, #tpu.memory_space<vmem>>, %arg7: memref<!tpu.dma_semaphore, #tpu.memory_space<semaphore_mem>>) attributes {dimension_semantics = [#tpu.dimension_semantics<core_parallel>, #tpu.dimension_semantics<subcore_parallel>], iteration_bounds = array<i64: 2, 16>, scalar_prefetch = 0 : i64, scratch_operands = 3 : i64, tpu.core_type = #tpu.core_type<sc_vector_subcore>, window_params = [{transform_indices = #map}, {transform_indices = #map1}, {transform_indices = #map1}]} {
    %mul3A = arith.constant 2 : i32
    %mul3A_0 = arith.muli %arg1, %mul3A : i32
    %add3A = arith.addi %mul3A_0, %arg0 : i32
    "tpu.region"() ({
      %run_scoped3A = tpu.sem_alloc : memref<!tpu.dma_semaphore, #tpu.memory_space<semaphore_mem>>
      %dma_start3A = arith.constant 0 : i32
      %dma_start3A_15 = arith.constant 0 : i32
      %dma_start3A_16 = tpu.memref_slice %arg3[%add3A, %dma_start3A, %dma_start3A_15] : memref<32x256x128xi32, #tpu.memory_space<hbm>> -> memref<1x256x128xi32, #tpu.memory_space<hbm>>
      %dma_start3A_17 = tpu.memref_squeeze %dma_start3A_16 : memref<1x256x128xi32, #tpu.memory_space<hbm>> -> memref<256x128xi32, #tpu.memory_space<hbm>>
      %dma_start3A_18 = arith.constant 0 : i32
      %dma_start3A_19 = arith.constant 0 : i32
      %dma_start3A_20 = tpu.memref_slice %arg3[%add3A, %dma_start3A_18, %dma_start3A_19] : memref<32x256x128xi32, #tpu.memory_space<hbm>> -> memref<1x256x128xi32, #tpu.memory_space<hbm>>
      %dma_start3A_21 = tpu.memref_squeeze %dma_start3A_20 : memref<1x256x128xi32, #tpu.memory_space<hbm>> -> memref<256x128xi32, #tpu.memory_space<hbm>>
      tpu.enqueue_dma source(%dma_start3A_21 : memref<256x128xi32, #tpu.memory_space<hbm>>) target(%arg5 : memref<256x128xi32, #tpu.memory_space<vmem>>) target_semaphore(%run_scoped3A : memref<!tpu.dma_semaphore, #tpu.memory_space<semaphore_mem>>)
      %dma_wait3A = arith.constant 0 : i32
      %dma_wait3A_22 = arith.constant 0 : i32
      %dma_wait3A_23 = tpu.memref_slice %arg3[%add3A, %dma_wait3A, %dma_wait3A_22] : memref<32x256x128xi32, #tpu.memory_space<hbm>> -> memref<1x256x128xi32, #tpu.memory_space<hbm>>
      %dma_wait3A_24 = tpu.memref_squeeze %dma_wait3A_23 : memref<1x256x128xi32, #tpu.memory_space<hbm>> -> memref<256x128xi32, #tpu.memory_space<hbm>>
      %dma_wait3A_25 = arith.constant 0 : i32
      %dma_wait3A_26 = arith.constant 0 : i32
      %dma_wait3A_27 = tpu.memref_slice %arg3[%add3A, %dma_wait3A_25, %dma_wait3A_26] : memref<32x256x128xi32, #tpu.memory_space<hbm>> -> memref<1x256x128xi32, #tpu.memory_space<hbm>>
      %dma_wait3A_28 = tpu.memref_squeeze %dma_wait3A_27 : memref<1x256x128xi32, #tpu.memory_space<hbm>> -> memref<256x128xi32, #tpu.memory_space<hbm>>
      tpu.wait_dma2 semaphore(%run_scoped3A : memref<!tpu.dma_semaphore, #tpu.memory_space<semaphore_mem>>) src(%dma_wait3A_28 : memref<256x128xi32, #tpu.memory_space<hbm>>) dst(%arg5 : memref<256x128xi32, #tpu.memory_space<vmem>>)
      tpu.yield
    }) : () -> ()
    %iota3A = tpu.iota {dimensions = array<i32: 0>} : vector<16xi32>
    %scan3A = arith.constant 0 : i32
    %scan3A_1 = arith.constant 8 : i32
    %scan3A_2 = arith.addi %scan3A, %scan3A_1 : i32
    %scan3A_3 = arith.constant 1 : i32
    scf.for %scan3A_15 = %scan3A to %scan3A_2 step %scan3A_3  : i32 {
      %mul3A_16 = arith.constant 1 : i32
      %mul3A_17 = arith.muli %scan3A_15, %mul3A_16 : i32
      %add3A_18 = arith.constant 0 : i32
      %add3A_19 = arith.addi %add3A_18, %mul3A_17 : i32
      %get3A = arith.index_cast %add3A_19 : i32 to index
      %get3A_20 = arith.constant 0 : index
      %get3A_21 = tpu.vector_load %arg5[%get3A, %get3A_20] {strides = array<i32>} : memref<256x128xi32, #tpu.memory_space<vmem>>, vector<1x16xi32>,
      %get3A_22 = vector.shape_cast %get3A_21 : vector<1x16xi32> to vector<16xi32>
      %shift_left3A = arith.constant 7 : i32
      %shift_left3A_23 = vector.broadcast %shift_left3A : i32 to vector<16xi32>
      %shift_left3A_24 = arith.shli %get3A_22, %shift_left3A_23 : vector<16xi32>
      %add3A_25 = arith.constant 0 : i32
      %add3A_26 = vector.broadcast %add3A_25 : i32 to vector<16xi32>
      %add3A_27 = arith.addi %iota3A, %add3A_26 : vector<16xi32>
      %add3A_28 = arith.addi %shift_left3A_24, %add3A_27 : vector<16xi32>
      %swap3A = arith.index_cast %add3A_19 : i32 to index
      %swap3A_29 = arith.constant 0 : index
      %swap3A_30 = tpu.vector_load %arg5[%swap3A, %swap3A_29] {strides = array<i32>} : memref<256x128xi32, #tpu.memory_space<vmem>>, vector<1x16xi32>,
      %swap3A_31 = vector.shape_cast %swap3A_30 : vector<1x16xi32> to vector<16xi32>
      %swap3A_32 = vector.shape_cast %add3A_28 : vector<16xi32> to vector<1x16xi32>
      tpu.vector_store %arg5[%swap3A, %swap3A_29], %swap3A_32 {strides = array<i32>} : memref<256x128xi32, #tpu.memory_space<vmem>>, vector<1x16xi32>,
      %get3A_33 = arith.index_cast %add3A_19 : i32 to index
      %get3A_34 = arith.constant 16 : index
      %get3A_35 = tpu.vector_load %arg5[%get3A_33, %get3A_34] {strides = array<i32>} : memref<256x128xi32, #tpu.memory_space<vmem>>, vector<1x16xi32>,
      %get3A_36 = vector.shape_cast %get3A_35 : vector<1x16xi32> to vector<16xi32>
      %shift_left3A_37 = arith.constant 7 : i32
      %shift_left3A_38 = vector.broadcast %shift_left3A_37 : i32 to vector<16xi32>
      %shift_left3A_39 = arith.shli %get3A_36, %shift_left3A_38 : vector<16xi32>
      %add3A_40 = arith.constant 16 : i32
      %add3A_41 = vector.broadcast %add3A_40 : i32 to vector<16xi32>
      %add3A_42 = arith.addi %iota3A, %add3A_41 : vector<16xi32>
      %add3A_43 = arith.addi %shift_left3A_39, %add3A_42 : vector<16xi32>
      %swap3A_44 = arith.index_cast %add3A_19 : i32 to index
      %swap3A_45 = arith.constant 16 : index
      %swap3A_46 = tpu.vector_load %arg5[%swap3A_44, %swap3A_45] {strides = array<i32>} : memref<256x128xi32, #tpu.memory_space<vmem>>, vector<1x16xi32>,
      %swap3A_47 = vector.shape_cast %swap3A_46 : vector<1x16xi32> to vector<16xi32>
      %swap3A_48 = vector.shape_cast %add3A_43 : vector<16xi32> to vector<1x16xi32>
      tpu.vector_store %arg5[%swap3A_44, %swap3A_45], %swap3A_48 {strides = array<i32>} : memref<256x128xi32, #tpu.memory_space<vmem>>, vector<1x16xi32>,
      %get3A_49 = arith.index_cast %add3A_19 : i32 to index
      %get3A_50 = arith.constant 32 : index
      %get3A_51 = tpu.vector_load %arg5[%get3A_49, %get3A_50] {strides = array<i32>} : memref<256x128xi32, #tpu.memory_space<vmem>>, vector<1x16xi32>,
      %get3A_52 = vector.shape_cast %get3A_51 : vector<1x16xi32> to vector<16xi32>
      %shift_left3A_53 = arith.constant 7 : i32
      %shift_left3A_54 = vector.broadcast %shift_left3A_53 : i32 to vector<16xi32>
      %shift_left3A_55 = arith.shli %get3A_52, %shift_left3A_54 : vector<16xi32>
      %add3A_56 = arith.constant 32 : i32
      %add3A_57 = vector.broadcast %add3A_56 : i32 to vector<16xi32>
      %add3A_58 = arith.addi %iota3A, %add3A_57 : vector<16xi32>
      %add3A_59 = arith.addi %shift_left3A_55, %add3A_58 : vector<16xi32>
      %swap3A_60 = arith.index_cast %add3A_19 : i32 to index
      %swap3A_61 = arith.constant 32 : index
      %swap3A_62 = tpu.vector_load %arg5[%swap3A_60, %swap3A_61] {strides = array<i32>} : memref<256x128xi32, #tpu.memory_space<vmem>>, vector<1x16xi32>,
      %swap3A_63 = vector.shape_cast %swap3A_62 : vector<1x16xi32> to vector<16xi32>
      %swap3A_64 = vector.shape_cast %add3A_59 : vector<16xi32> to vector<1x16xi32>
      tpu.vector_store %arg5[%swap3A_60, %swap3A_61], %swap3A_64 {strides = array<i32>} : memref<256x128xi32, #tpu.memory_space<vmem>>, vector<1x16xi32>,
      %get3A_65 = arith.index_cast %add3A_19 : i32 to index
      %get3A_66 = arith.constant 48 : index
      %get3A_67 = tpu.vector_load %arg5[%get3A_65, %get3A_66] {strides = array<i32>} : memref<256x128xi32, #tpu.memory_space<vmem>>, vector<1x16xi32>,
      %get3A_68 = vector.shape_cast %get3A_67 : vector<1x16xi32> to vector<16xi32>
      %shift_left3A_69 = arith.constant 7 : i32
      %shift_left3A_70 = vector.broadcast %shift_left3A_69 : i32 to vector<16xi32>
      %shift_left3A_71 = arith.shli %get3A_68, %shift_left3A_70 : vector<16xi32>
      %add3A_72 = arith.constant 48 : i32
      %add3A_73 = vector.broadcast %add3A_72 : i32 to vector<16xi32>
      %add3A_74 = arith.addi %iota3A, %add3A_73 : vector<16xi32>
      %add3A_75 = arith.addi %shift_left3A_71, %add3A_74 : vector<16xi32>
      %swap3A_76 = arith.index_cast %add3A_19 : i32 to index
      %swap3A_77 = arith.constant 48 : index
      %swap3A_78 = tpu.vector_load %arg5[%swap3A_76, %swap3A_77] {strides = array<i32>} : memref<256x128xi32, #tpu.memory_space<vmem>>, vector<1x16xi32>,
      %swap3A_79 = vector.shape_cast %swap3A_78 : vector<1x16xi32> to vector<16xi32>
      %swap3A_80 = vector.shape_cast %add3A_75 : vector<16xi32> to vector<1x16xi32>
      tpu.vector_store %arg5[%swap3A_76, %swap3A_77], %swap3A_80 {strides = array<i32>} : memref<256x128xi32, #tpu.memory_space<vmem>>, vector<1x16xi32>,
      %get3A_81 = arith.index_cast %add3A_19 : i32 to index
      %get3A_82 = arith.constant 64 : index
      %get3A_83 = tpu.vector_load %arg5[%get3A_81, %get3A_82] {strides = array<i32>} : memref<256x128xi32, #tpu.memory_space<vmem>>, vector<1x16xi32>,
      %get3A_84 = vector.shape_cast %get3A_83 : vector<1x16xi32> to vector<16xi32>
      %shift_left3A_85 = arith.constant 7 : i32
      %shift_left3A_86 = vector.broadcast %shift_left3A_85 : i32 to vector<16xi32>
      %shift_left3A_87 = arith.shli %get3A_84, %shift_left3A_86 : vector<16xi32>
      %add3A_88 = arith.constant 0 : i32
      %add3A_89 = vector.broadcast %add3A_88 : i32 to vector<16xi32>
      %add3A_90 = arith.addi %iota3A, %add3A_89 : vector<16xi32>
      %add3A_91 = arith.addi %shift_left3A_87, %add3A_90 : vector<16xi32>
      %swap3A_92 = arith.index_cast %add3A_19 : i32 to index
      %swap3A_93 = arith.constant 64 : index
      %swap3A_94 = tpu.vector_load %arg5[%swap3A_92, %swap3A_93] {strides = array<i32>} : memref<256x128xi32, #tpu.memory_space<vmem>>, vector<1x16xi32>,
      %swap3A_95 = vector.shape_cast %swap3A_94 : vector<1x16xi32> to vector<16xi32>
      %swap3A_96 = vector.shape_cast %add3A_91 : vector<16xi32> to vector<1x16xi32>
      tpu.vector_store %arg5[%swap3A_92, %swap3A_93], %swap3A_96 {strides = array<i32>} : memref<256x128xi32, #tpu.memory_space<vmem>>, vector<1x16xi32>,
      %get3A_97 = arith.index_cast %add3A_19 : i32 to index
      %get3A_98 = arith.constant 80 : index
      %get3A_99 = tpu.vector_load %arg5[%get3A_97, %get3A_98] {strides = array<i32>} : memref<256x128xi32, #tpu.memory_space<vmem>>, vector<1x16xi32>,
      %get3A_100 = vector.shape_cast %get3A_99 : vector<1x16xi32> to vector<16xi32>
      %shift_left3A_101 = arith.constant 7 : i32
      %shift_left3A_102 = vector.broadcast %shift_left3A_101 : i32 to vector<16xi32>
      %shift_left3A_103 = arith.shli %get3A_100, %shift_left3A_102 : vector<16xi32>
      %add3A_104 = arith.constant 16 : i32
      %add3A_105 = vector.broadcast %add3A_104 : i32 to vector<16xi32>
      %add3A_106 = arith.addi %iota3A, %add3A_105 : vector<16xi32>
      %add3A_107 = arith.addi %shift_left3A_103, %add3A_106 : vector<16xi32>
      %swap3A_108 = arith.index_cast %add3A_19 : i32 to index
      %swap3A_109 = arith.constant 80 : index
      %swap3A_110 = tpu.vector_load %arg5[%swap3A_108, %swap3A_109] {strides = array<i32>} : memref<256x128xi32, #tpu.memory_space<vmem>>, vector<1x16xi32>,
      %swap3A_111 = vector.shape_cast %swap3A_110 : vector<1x16xi32> to vector<16xi32>
      %swap3A_112 = vector.shape_cast %add3A_107 : vector<16xi32> to vector<1x16xi32>
      tpu.vector_store %arg5[%swap3A_108, %swap3A_109], %swap3A_112 {strides = array<i32>} : memref<256x128xi32, #tpu.memory_space<vmem>>, vector<1x16xi32>,
      %get3A_113 = arith.index_cast %add3A_19 : i32 to index
      %get3A_114 = arith.constant 96 : index
      %get3A_115 = tpu.vector_load %arg5[%get3A_113, %get3A_114] {strides = array<i32>} : memref<256x128xi32, #tpu.memory_space<vmem>>, vector<1x16xi32>,
      %get3A_116 = vector.shape_cast %get3A_115 : vector<1x16xi32> to vector<16xi32>
      %shift_left3A_117 = arith.constant 7 : i32
      %shift_left3A_118 = vector.broadcast %shift_left3A_117 : i32 to vector<16xi32>
      %shift_left3A_119 = arith.shli %get3A_116, %shift_left3A_118 : vector<16xi32>
      %add3A_120 = arith.constant 32 : i32
      %add3A_121 = vector.broadcast %add3A_120 : i32 to vector<16xi32>
      %add3A_122 = arith.addi %iota3A, %add3A_121 : vector<16xi32>
      %add3A_123 = arith.addi %shift_left3A_119, %add3A_122 : vector<16xi32>
      %swap3A_124 = arith.index_cast %add3A_19 : i32 to index
      %swap3A_125 = arith.constant 96 : index
      %swap3A_126 = tpu.vector_load %arg5[%swap3A_124, %swap3A_125] {strides = array<i32>} : memref<256x128xi32, #tpu.memory_space<vmem>>, vector<1x16xi32>,
      %swap3A_127 = vector.shape_cast %swap3A_126 : vector<1x16xi32> to vector<16xi32>
      %swap3A_128 = vector.shape_cast %add3A_123 : vector<16xi32> to vector<1x16xi32>
      tpu.vector_store %arg5[%swap3A_124, %swap3A_125], %swap3A_128 {strides = array<i32>} : memref<256x128xi32, #tpu.memory_space<vmem>>, vector<1x16xi32>,
      %get3A_129 = arith.index_cast %add3A_19 : i32 to index
      %get3A_130 = arith.constant 112 : index
      %get3A_131 = tpu.vector_load %arg5[%get3A_129, %get3A_130] {strides = array<i32>} : memref<256x128xi32, #tpu.memory_space<vmem>>, vector<1x16xi32>,
      %get3A_132 = vector.shape_cast %get3A_131 : vector<1x16xi32> to vector<16xi32>
      %shift_left3A_133 = arith.constant 7 : i32
      %shift_left3A_134 = vector.broadcast %shift_left3A_133 : i32 to vector<16xi32>
      %shift_left3A_135 = arith.shli %get3A_132, %shift_left3A_134 : vector<16xi32>
      %add3A_136 = arith.constant 48 : i32
      %add3A_137 = vector.broadcast %add3A_136 : i32 to vector<16xi32>
      %add3A_138 = arith.addi %iota3A, %add3A_137 : vector<16xi32>
      %add3A_139 = arith.addi %shift_left3A_135, %add3A_138 : vector<16xi32>
      %swap3A_140 = arith.index_cast %add3A_19 : i32 to index
      %swap3A_141 = arith.constant 112 : index
      %swap3A_142 = tpu.vector_load %arg5[%swap3A_140, %swap3A_141] {strides = array<i32>} : memref<256x128xi32, #tpu.memory_space<vmem>>, vector<1x16xi32>,
      %swap3A_143 = vector.shape_cast %swap3A_142 : vector<1x16xi32> to vector<16xi32>
      %swap3A_144 = vector.shape_cast %add3A_139 : vector<16xi32> to vector<1x16xi32>
      tpu.vector_store %arg5[%swap3A_140, %swap3A_141], %swap3A_144 {strides = array<i32>} : memref<256x128xi32, #tpu.memory_space<vmem>>, vector<1x16xi32>,
    }
    %scan3A_4 = arith.constant 8 : i32
    %scan3A_5 = arith.constant 0 : i32
    %scan3A_6 = arith.constant 32 : i32
    %scan3A_7 = arith.addi %scan3A_5, %scan3A_6 : i32
    %scan3A_8 = arith.constant 1 : i32
    scf.for %scan3A_15 = %scan3A_5 to %scan3A_7 step %scan3A_8  : i32 {
      %mul3A_16 = arith.constant 1 : i32
      %mul3A_17 = arith.muli %scan3A_15, %mul3A_16 : i32
      %add3A_18 = arith.constant 0 : i32
      %add3A_19 = arith.addi %add3A_18, %mul3A_17 : i32
      %mul3A_20 = arith.constant 8 : i32
      %mul3A_21 = arith.muli %add3A_19, %mul3A_20 : i32
      %add3A_22 = arith.constant 0 : i32
      %add3A_23 = arith.addi %mul3A_21, %add3A_22 : i32
      %dma_start3A = arith.constant 0 : i32
      %dma_start3A_24 = tpu.memref_slice %arg6[%add3A_23, %dma_start3A] : memref<256x128xf32, #tpu.memory_space<vmem>> -> memref<1x128xf32, #tpu.memory_space<vmem>>
      %dma_start3A_25 = tpu.memref_squeeze %dma_start3A_24 : memref<1x128xf32, #tpu.memory_space<vmem>> -> memref<128xf32, #tpu.memory_space<vmem>>
      %dma_start3A_26 = arith.constant 0 : i32
      %dma_start3A_27 = tpu.memref_slice %arg5[%add3A_23, %dma_start3A_26] : memref<256x128xi32, #tpu.memory_space<vmem>> -> memref<1x128xi32, #tpu.memory_space<vmem>>
      %dma_start3A_28 = tpu.memref_squeeze %dma_start3A_27 : memref<1x128xi32, #tpu.memory_space<vmem>> -> memref<128xi32, #tpu.memory_space<vmem>>
      %dma_start3A_29 = arith.constant 0 : i32
      %dma_start3A_30 = tpu.memref_slice %arg2[%dma_start3A_29] : memref<128000000xf32, #tpu.memory_space<hbm>> -> memref<128000000xf32, #tpu.memory_space<hbm>>
      tpu.enqueue_indirect_dma source(%dma_start3A_30 : memref<128000000xf32, #tpu.memory_space<hbm>>) target(%dma_start3A_25 : memref<128xf32, #tpu.memory_space<vmem>>) offsets(%dma_start3A_28 : memref<128xi32, #tpu.memory_space<vmem>>) semaphore(%arg7 : memref<!tpu.dma_semaphore, #tpu.memory_space<semaphore_mem>>)
      %mul3A_31 = arith.constant 8 : i32
      %mul3A_32 = arith.muli %add3A_19, %mul3A_31 : i32
      %add3A_33 = arith.constant 1 : i32
      %add3A_34 = arith.addi %mul3A_32, %add3A_33 : i32
      %dma_start3A_35 = arith.constant 0 : i32
      %dma_start3A_36 = tpu.memref_slice %arg6[%add3A_34, %dma_start3A_35] : memref<256x128xf32, #tpu.memory_space<vmem>> -> memref<1x128xf32, #tpu.memory_space<vmem>>
      %dma_start3A_37 = tpu.memref_squeeze %dma_start3A_36 : memref<1x128xf32, #tpu.memory_space<vmem>> -> memref<128xf32, #tpu.memory_space<vmem>>
      %dma_start3A_38 = arith.constant 0 : i32
      %dma_start3A_39 = tpu.memref_slice %arg5[%add3A_34, %dma_start3A_38] : memref<256x128xi32, #tpu.memory_space<vmem>> -> memref<1x128xi32, #tpu.memory_space<vmem>>
      %dma_start3A_40 = tpu.memref_squeeze %dma_start3A_39 : memref<1x128xi32, #tpu.memory_space<vmem>> -> memref<128xi32, #tpu.memory_space<vmem>>
      %dma_start3A_41 = arith.constant 0 : i32
      %dma_start3A_42 = tpu.memref_slice %arg2[%dma_start3A_41] : memref<128000000xf32, #tpu.memory_space<hbm>> -> memref<128000000xf32, #tpu.memory_space<hbm>>
      tpu.enqueue_indirect_dma source(%dma_start3A_42 : memref<128000000xf32, #tpu.memory_space<hbm>>) target(%dma_start3A_37 : memref<128xf32, #tpu.memory_space<vmem>>) offsets(%dma_start3A_40 : memref<128xi32, #tpu.memory_space<vmem>>) semaphore(%arg7 : memref<!tpu.dma_semaphore, #tpu.memory_space<semaphore_mem>>)
      %mul3A_43 = arith.constant 8 : i32
      %mul3A_44 = arith.muli %add3A_19, %mul3A_43 : i32
      %add3A_45 = arith.constant 2 : i32
      %add3A_46 = arith.addi %mul3A_44, %add3A_45 : i32
      %dma_start3A_47 = arith.constant 0 : i32
      %dma_start3A_48 = tpu.memref_slice %arg6[%add3A_46, %dma_start3A_47] : memref<256x128xf32, #tpu.memory_space<vmem>> -> memref<1x128xf32, #tpu.memory_space<vmem>>
      %dma_start3A_49 = tpu.memref_squeeze %dma_start3A_48 : memref<1x128xf32, #tpu.memory_space<vmem>> -> memref<128xf32, #tpu.memory_space<vmem>>
      %dma_start3A_50 = arith.constant 0 : i32
      %dma_start3A_51 = tpu.memref_slice %arg5[%add3A_46, %dma_start3A_50] : memref<256x128xi32, #tpu.memory_space<vmem>> -> memref<1x128xi32, #tpu.memory_space<vmem>>
      %dma_start3A_52 = tpu.memref_squeeze %dma_start3A_51 : memref<1x128xi32, #tpu.memory_space<vmem>> -> memref<128xi32, #tpu.memory_space<vmem>>
      %dma_start3A_53 = arith.constant 0 : i32
      %dma_start3A_54 = tpu.memref_slice %arg2[%dma_start3A_53] : memref<128000000xf32, #tpu.memory_space<hbm>> -> memref<128000000xf32, #tpu.memory_space<hbm>>
      tpu.enqueue_indirect_dma source(%dma_start3A_54 : memref<128000000xf32, #tpu.memory_space<hbm>>) target(%dma_start3A_49 : memref<128xf32, #tpu.memory_space<vmem>>) offsets(%dma_start3A_52 : memref<128xi32, #tpu.memory_space<vmem>>) semaphore(%arg7 : memref<!tpu.dma_semaphore, #tpu.memory_space<semaphore_mem>>)
      %mul3A_55 = arith.constant 8 : i32
      %mul3A_56 = arith.muli %add3A_19, %mul3A_55 : i32
      %add3A_57 = arith.constant 3 : i32
      %add3A_58 = arith.addi %mul3A_56, %add3A_57 : i32
      %dma_start3A_59 = arith.constant 0 : i32
      %dma_start3A_60 = tpu.memref_slice %arg6[%add3A_58, %dma_start3A_59] : memref<256x128xf32, #tpu.memory_space<vmem>> -> memref<1x128xf32, #tpu.memory_space<vmem>>
      %dma_start3A_61 = tpu.memref_squeeze %dma_start3A_60 : memref<1x128xf32, #tpu.memory_space<vmem>> -> memref<128xf32, #tpu.memory_space<vmem>>
      %dma_start3A_62 = arith.constant 0 : i32
      %dma_start3A_63 = tpu.memref_slice %arg5[%add3A_58, %dma_start3A_62] : memref<256x128xi32, #tpu.memory_space<vmem>> -> memref<1x128xi32, #tpu.memory_space<vmem>>
      %dma_start3A_64 = tpu.memref_squeeze %dma_start3A_63 : memref<1x128xi32, #tpu.memory_space<vmem>> -> memref<128xi32, #tpu.memory_space<vmem>>
      %dma_start3A_65 = arith.constant 0 : i32
      %dma_start3A_66 = tpu.memref_slice %arg2[%dma_start3A_65] : memref<128000000xf32, #tpu.memory_space<hbm>> -> memref<128000000xf32, #tpu.memory_space<hbm>>
      tpu.enqueue_indirect_dma source(%dma_start3A_66 : memref<128000000xf32, #tpu.memory_space<hbm>>) target(%dma_start3A_61 : memref<128xf32, #tpu.memory_space<vmem>>) offsets(%dma_start3A_64 : memref<128xi32, #tpu.memory_space<vmem>>) semaphore(%arg7 : memref<!tpu.dma_semaphore, #tpu.memory_space<semaphore_mem>>)
      %mul3A_67 = arith.constant 8 : i32
      %mul3A_68 = arith.muli %add3A_19, %mul3A_67 : i32
      %add3A_69 = arith.constant 4 : i32
      %add3A_70 = arith.addi %mul3A_68, %add3A_69 : i32
      %dma_start3A_71 = arith.constant 0 : i32
      %dma_start3A_72 = tpu.memref_slice %arg6[%add3A_70, %dma_start3A_71] : memref<256x128xf32, #tpu.memory_space<vmem>> -> memref<1x128xf32, #tpu.memory_space<vmem>>
      %dma_start3A_73 = tpu.memref_squeeze %dma_start3A_72 : memref<1x128xf32, #tpu.memory_space<vmem>> -> memref<128xf32, #tpu.memory_space<vmem>>
      %dma_start3A_74 = arith.constant 0 : i32
      %dma_start3A_75 = tpu.memref_slice %arg5[%add3A_70, %dma_start3A_74] : memref<256x128xi32, #tpu.memory_space<vmem>> -> memref<1x128xi32, #tpu.memory_space<vmem>>
      %dma_start3A_76 = tpu.memref_squeeze %dma_start3A_75 : memref<1x128xi32, #tpu.memory_space<vmem>> -> memref<128xi32, #tpu.memory_space<vmem>>
      %dma_start3A_77 = arith.constant 0 : i32
      %dma_start3A_78 = tpu.memref_slice %arg2[%dma_start3A_77] : memref<128000000xf32, #tpu.memory_space<hbm>> -> memref<128000000xf32, #tpu.memory_space<hbm>>
      tpu.enqueue_indirect_dma source(%dma_start3A_78 : memref<128000000xf32, #tpu.memory_space<hbm>>) target(%dma_start3A_73 : memref<128xf32, #tpu.memory_space<vmem>>) offsets(%dma_start3A_76 : memref<128xi32, #tpu.memory_space<vmem>>) semaphore(%arg7 : memref<!tpu.dma_semaphore, #tpu.memory_space<semaphore_mem>>)
      %mul3A_79 = arith.constant 8 : i32
      %mul3A_80 = arith.muli %add3A_19, %mul3A_79 : i32
      %add3A_81 = arith.constant 5 : i32
      %add3A_82 = arith.addi %mul3A_80, %add3A_81 : i32
      %dma_start3A_83 = arith.constant 0 : i32
      %dma_start3A_84 = tpu.memref_slice %arg6[%add3A_82, %dma_start3A_83] : memref<256x128xf32, #tpu.memory_space<vmem>> -> memref<1x128xf32, #tpu.memory_space<vmem>>
      %dma_start3A_85 = tpu.memref_squeeze %dma_start3A_84 : memref<1x128xf32, #tpu.memory_space<vmem>> -> memref<128xf32, #tpu.memory_space<vmem>>
      %dma_start3A_86 = arith.constant 0 : i32
      %dma_start3A_87 = tpu.memref_slice %arg5[%add3A_82, %dma_start3A_86] : memref<256x128xi32, #tpu.memory_space<vmem>> -> memref<1x128xi32, #tpu.memory_space<vmem>>
      %dma_start3A_88 = tpu.memref_squeeze %dma_start3A_87 : memref<1x128xi32, #tpu.memory_space<vmem>> -> memref<128xi32, #tpu.memory_space<vmem>>
      %dma_start3A_89 = arith.constant 0 : i32
      %dma_start3A_90 = tpu.memref_slice %arg2[%dma_start3A_89] : memref<128000000xf32, #tpu.memory_space<hbm>> -> memref<128000000xf32, #tpu.memory_space<hbm>>
      tpu.enqueue_indirect_dma source(%dma_start3A_90 : memref<128000000xf32, #tpu.memory_space<hbm>>) target(%dma_start3A_85 : memref<128xf32, #tpu.memory_space<vmem>>) offsets(%dma_start3A_88 : memref<128xi32, #tpu.memory_space<vmem>>) semaphore(%arg7 : memref<!tpu.dma_semaphore, #tpu.memory_space<semaphore_mem>>)
      %mul3A_91 = arith.constant 8 : i32
      %mul3A_92 = arith.muli %add3A_19, %mul3A_91 : i32
      %add3A_93 = arith.constant 6 : i32
      %add3A_94 = arith.addi %mul3A_92, %add3A_93 : i32
      %dma_start3A_95 = arith.constant 0 : i32
      %dma_start3A_96 = tpu.memref_slice %arg6[%add3A_94, %dma_start3A_95] : memref<256x128xf32, #tpu.memory_space<vmem>> -> memref<1x128xf32, #tpu.memory_space<vmem>>
      %dma_start3A_97 = tpu.memref_squeeze %dma_start3A_96 : memref<1x128xf32, #tpu.memory_space<vmem>> -> memref<128xf32, #tpu.memory_space<vmem>>
      %dma_start3A_98 = arith.constant 0 : i32
      %dma_start3A_99 = tpu.memref_slice %arg5[%add3A_94, %dma_start3A_98] : memref<256x128xi32, #tpu.memory_space<vmem>> -> memref<1x128xi32, #tpu.memory_space<vmem>>
      %dma_start3A_100 = tpu.memref_squeeze %dma_start3A_99 : memref<1x128xi32, #tpu.memory_space<vmem>> -> memref<128xi32, #tpu.memory_space<vmem>>
      %dma_start3A_101 = arith.constant 0 : i32
      %dma_start3A_102 = tpu.memref_slice %arg2[%dma_start3A_101] : memref<128000000xf32, #tpu.memory_space<hbm>> -> memref<128000000xf32, #tpu.memory_space<hbm>>
      tpu.enqueue_indirect_dma source(%dma_start3A_102 : memref<128000000xf32, #tpu.memory_space<hbm>>) target(%dma_start3A_97 : memref<128xf32, #tpu.memory_space<vmem>>) offsets(%dma_start3A_100 : memref<128xi32, #tpu.memory_space<vmem>>) semaphore(%arg7 : memref<!tpu.dma_semaphore, #tpu.memory_space<semaphore_mem>>)
      %mul3A_103 = arith.constant 8 : i32
      %mul3A_104 = arith.muli %add3A_19, %mul3A_103 : i32
      %add3A_105 = arith.constant 7 : i32
      %add3A_106 = arith.addi %mul3A_104, %add3A_105 : i32
      %dma_start3A_107 = arith.constant 0 : i32
      %dma_start3A_108 = tpu.memref_slice %arg6[%add3A_106, %dma_start3A_107] : memref<256x128xf32, #tpu.memory_space<vmem>> -> memref<1x128xf32, #tpu.memory_space<vmem>>
      %dma_start3A_109 = tpu.memref_squeeze %dma_start3A_108 : memref<1x128xf32, #tpu.memory_space<vmem>> -> memref<128xf32, #tpu.memory_space<vmem>>
      %dma_start3A_110 = arith.constant 0 : i32
      %dma_start3A_111 = tpu.memref_slice %arg5[%add3A_106, %dma_start3A_110] : memref<256x128xi32, #tpu.memory_space<vmem>> -> memref<1x128xi32, #tpu.memory_space<vmem>>
      %dma_start3A_112 = tpu.memref_squeeze %dma_start3A_111 : memref<1x128xi32, #tpu.memory_space<vmem>> -> memref<128xi32, #tpu.memory_space<vmem>>
      %dma_start3A_113 = arith.constant 0 : i32
      %dma_start3A_114 = tpu.memref_slice %arg2[%dma_start3A_113] : memref<128000000xf32, #tpu.memory_space<hbm>> -> memref<128000000xf32, #tpu.memory_space<hbm>>
      tpu.enqueue_indirect_dma source(%dma_start3A_114 : memref<128000000xf32, #tpu.memory_space<hbm>>) target(%dma_start3A_109 : memref<128xf32, #tpu.memory_space<vmem>>) offsets(%dma_start3A_112 : memref<128xi32, #tpu.memory_space<vmem>>) semaphore(%arg7 : memref<!tpu.dma_semaphore, #tpu.memory_space<semaphore_mem>>)
      %add3A_115 = arith.constant 1 : i32
      %add3A_116 = arith.addi %add3A_19, %add3A_115 : i32
      %lt3A = arith.constant 32 : i32
      %lt3A_117 = arith.cmpi slt, %add3A_116, %lt3A : i32
      %convert_element_type3A = arith.extui %lt3A_117 : i1 to i32
      %cond3A = arith.constant 0 : i32
      %cond3A_118 = arith.cmpi ne, %convert_element_type3A, %cond3A : i32
      scf.if %cond3A_118 {
        %add3A_186 = arith.constant 1 : i32
        %add3A_187 = arith.addi %add3A_19, %add3A_186 : i32
        %mul3A_188 = arith.constant 8 : i32
        %mul3A_189 = arith.muli %add3A_187, %mul3A_188 : i32
        %add3A_190 = arith.constant 2 : i32
        %add3A_191 = arith.addi %add3A_19, %add3A_190 : i32
        %mul3A_192 = arith.constant 8 : i32
        %mul3A_193 = arith.muli %add3A_191, %mul3A_192 : i32
        %sub3A = arith.subi %mul3A_193, %mul3A_189 : i32
        %sub3A_194 = arith.constant 1 : i32
        %sub3A_195 = arith.constant 1 : i32
        %sub3A_196 = arith.subi %sub3A_194, %sub3A_195 : i32
        %add3A_197 = arith.addi %sub3A, %sub3A_196 : i32
        %div3A = arith.constant 1 : i32
        %div3A_198 = arith.divsi %add3A_197, %div3A : i32
        %while3A = arith.constant 1 : i32
        %while3A_199 = arith.constant 0 : i32
        %while3A_200 = arith.subi %div3A_198, %while3A_199 : i32
        %while3A_201 = arith.addi %while3A_199, %while3A_200 : i32
        %while3A_202 = arith.constant 1 : i32
        %while3A_203 = arith.divsi %while3A_200, %while3A_202 : i32
        %while3A_204 = arith.muli %while3A_203, %while3A_202 : i32
        %while3A_205 = arith.addi %while3A_199, %while3A_204 : i32
        %while3A_206 = arith.constant 1 : i32
        scf.for %while3A_208 = %while3A_199 to %while3A_205 step %while3A_206  : i32 {
          %mul3A_209 = arith.muli %while3A_208, %while3A : i32
          %add3A_210 = arith.addi %mul3A_189, %mul3A_209 : i32
          %get3A = arith.index_cast %add3A_210 : i32 to index
          %get3A_211 = arith.constant 0 : index
          %get3A_212 = tpu.vector_load %arg5[%get3A, %get3A_211] {strides = array<i32>} : memref<256x128xi32, #tpu.memory_space<vmem>>, vector<1x16xi32>,
          %get3A_213 = vector.shape_cast %get3A_212 : vector<1x16xi32> to vector<16xi32>
          %shift_left3A = arith.constant 7 : i32
          %shift_left3A_214 = vector.broadcast %shift_left3A : i32 to vector<16xi32>
          %shift_left3A_215 = arith.shli %get3A_213, %shift_left3A_214 : vector<16xi32>
          %add3A_216 = arith.constant 0 : i32
          %add3A_217 = vector.broadcast %add3A_216 : i32 to vector<16xi32>
          %add3A_218 = arith.addi %iota3A, %add3A_217 : vector<16xi32>
          %add3A_219 = arith.addi %shift_left3A_215, %add3A_218 : vector<16xi32>
          %swap3A = arith.index_cast %add3A_210 : i32 to index
          %swap3A_220 = arith.constant 0 : index
          %swap3A_221 = tpu.vector_load %arg5[%swap3A, %swap3A_220] {strides = array<i32>} : memref<256x128xi32, #tpu.memory_space<vmem>>, vector<1x16xi32>,
          %swap3A_222 = vector.shape_cast %swap3A_221 : vector<1x16xi32> to vector<16xi32>
          %swap3A_223 = vector.shape_cast %add3A_219 : vector<16xi32> to vector<1x16xi32>
          tpu.vector_store %arg5[%swap3A, %swap3A_220], %swap3A_223 {strides = array<i32>} : memref<256x128xi32, #tpu.memory_space<vmem>>, vector<1x16xi32>,
          %get3A_224 = arith.index_cast %add3A_210 : i32 to index
          %get3A_225 = arith.constant 16 : index
          %get3A_226 = tpu.vector_load %arg5[%get3A_224, %get3A_225] {strides = array<i32>} : memref<256x128xi32, #tpu.memory_space<vmem>>, vector<1x16xi32>,
          %get3A_227 = vector.shape_cast %get3A_226 : vector<1x16xi32> to vector<16xi32>
          %shift_left3A_228 = arith.constant 7 : i32
          %shift_left3A_229 = vector.broadcast %shift_left3A_228 : i32 to vector<16xi32>
          %shift_left3A_230 = arith.shli %get3A_227, %shift_left3A_229 : vector<16xi32>
          %add3A_231 = arith.constant 16 : i32
          %add3A_232 = vector.broadcast %add3A_231 : i32 to vector<16xi32>
          %add3A_233 = arith.addi %iota3A, %add3A_232 : vector<16xi32>
          %add3A_234 = arith.addi %shift_left3A_230, %add3A_233 : vector<16xi32>
          %swap3A_235 = arith.index_cast %add3A_210 : i32 to index
          %swap3A_236 = arith.constant 16 : index
          %swap3A_237 = tpu.vector_load %arg5[%swap3A_235, %swap3A_236] {strides = array<i32>} : memref<256x128xi32, #tpu.memory_space<vmem>>, vector<1x16xi32>,
          %swap3A_238 = vector.shape_cast %swap3A_237 : vector<1x16xi32> to vector<16xi32>
          %swap3A_239 = vector.shape_cast %add3A_234 : vector<16xi32> to vector<1x16xi32>
          tpu.vector_store %arg5[%swap3A_235, %swap3A_236], %swap3A_239 {strides = array<i32>} : memref<256x128xi32, #tpu.memory_space<vmem>>, vector<1x16xi32>,
          %get3A_240 = arith.index_cast %add3A_210 : i32 to index
          %get3A_241 = arith.constant 32 : index
          %get3A_242 = tpu.vector_load %arg5[%get3A_240, %get3A_241] {strides = array<i32>} : memref<256x128xi32, #tpu.memory_space<vmem>>, vector<1x16xi32>,
          %get3A_243 = vector.shape_cast %get3A_242 : vector<1x16xi32> to vector<16xi32>
          %shift_left3A_244 = arith.constant 7 : i32
          %shift_left3A_245 = vector.broadcast %shift_left3A_244 : i32 to vector<16xi32>
          %shift_left3A_246 = arith.shli %get3A_243, %shift_left3A_245 : vector<16xi32>
          %add3A_247 = arith.constant 32 : i32
          %add3A_248 = vector.broadcast %add3A_247 : i32 to vector<16xi32>
          %add3A_249 = arith.addi %iota3A, %add3A_248 : vector<16xi32>
          %add3A_250 = arith.addi %shift_left3A_246, %add3A_249 : vector<16xi32>
          %swap3A_251 = arith.index_cast %add3A_210 : i32 to index
          %swap3A_252 = arith.constant 32 : index
          %swap3A_253 = tpu.vector_load %arg5[%swap3A_251, %swap3A_252] {strides = array<i32>} : memref<256x128xi32, #tpu.memory_space<vmem>>, vector<1x16xi32>,
          %swap3A_254 = vector.shape_cast %swap3A_253 : vector<1x16xi32> to vector<16xi32>
          %swap3A_255 = vector.shape_cast %add3A_250 : vector<16xi32> to vector<1x16xi32>
          tpu.vector_store %arg5[%swap3A_251, %swap3A_252], %swap3A_255 {strides = array<i32>} : memref<256x128xi32, #tpu.memory_space<vmem>>, vector<1x16xi32>,
          %get3A_256 = arith.index_cast %add3A_210 : i32 to index
          %get3A_257 = arith.constant 48 : index
          %get3A_258 = tpu.vector_load %arg5[%get3A_256, %get3A_257] {strides = array<i32>} : memref<256x128xi32, #tpu.memory_space<vmem>>, vector<1x16xi32>,
          %get3A_259 = vector.shape_cast %get3A_258 : vector<1x16xi32> to vector<16xi32>
          %shift_left3A_260 = arith.constant 7 : i32
          %shift_left3A_261 = vector.broadcast %shift_left3A_260 : i32 to vector<16xi32>
          %shift_left3A_262 = arith.shli %get3A_259, %shift_left3A_261 : vector<16xi32>
          %add3A_263 = arith.constant 48 : i32
          %add3A_264 = vector.broadcast %add3A_263 : i32 to vector<16xi32>
          %add3A_265 = arith.addi %iota3A, %add3A_264 : vector<16xi32>
          %add3A_266 = arith.addi %shift_left3A_262, %add3A_265 : vector<16xi32>
          %swap3A_267 = arith.index_cast %add3A_210 : i32 to index
          %swap3A_268 = arith.constant 48 : index
          %swap3A_269 = tpu.vector_load %arg5[%swap3A_267, %swap3A_268] {strides = array<i32>} : memref<256x128xi32, #tpu.memory_space<vmem>>, vector<1x16xi32>,
          %swap3A_270 = vector.shape_cast %swap3A_269 : vector<1x16xi32> to vector<16xi32>
          %swap3A_271 = vector.shape_cast %add3A_266 : vector<16xi32> to vector<1x16xi32>
          tpu.vector_store %arg5[%swap3A_267, %swap3A_268], %swap3A_271 {strides = array<i32>} : memref<256x128xi32, #tpu.memory_space<vmem>>, vector<1x16xi32>,
          %get3A_272 = arith.index_cast %add3A_210 : i32 to index
          %get3A_273 = arith.constant 64 : index
          %get3A_274 = tpu.vector_load %arg5[%get3A_272, %get3A_273] {strides = array<i32>} : memref<256x128xi32, #tpu.memory_space<vmem>>, vector<1x16xi32>,
          %get3A_275 = vector.shape_cast %get3A_274 : vector<1x16xi32> to vector<16xi32>
          %shift_left3A_276 = arith.constant 7 : i32
          %shift_left3A_277 = vector.broadcast %shift_left3A_276 : i32 to vector<16xi32>
          %shift_left3A_278 = arith.shli %get3A_275, %shift_left3A_277 : vector<16xi32>
          %add3A_279 = arith.constant 0 : i32
          %add3A_280 = vector.broadcast %add3A_279 : i32 to vector<16xi32>
          %add3A_281 = arith.addi %iota3A, %add3A_280 : vector<16xi32>
          %add3A_282 = arith.addi %shift_left3A_278, %add3A_281 : vector<16xi32>
          %swap3A_283 = arith.index_cast %add3A_210 : i32 to index
          %swap3A_284 = arith.constant 64 : index
          %swap3A_285 = tpu.vector_load %arg5[%swap3A_283, %swap3A_284] {strides = array<i32>} : memref<256x128xi32, #tpu.memory_space<vmem>>, vector<1x16xi32>,
          %swap3A_286 = vector.shape_cast %swap3A_285 : vector<1x16xi32> to vector<16xi32>
          %swap3A_287 = vector.shape_cast %add3A_282 : vector<16xi32> to vector<1x16xi32>
          tpu.vector_store %arg5[%swap3A_283, %swap3A_284], %swap3A_287 {strides = array<i32>} : memref<256x128xi32, #tpu.memory_space<vmem>>, vector<1x16xi32>,
          %get3A_288 = arith.index_cast %add3A_210 : i32 to index
          %get3A_289 = arith.constant 80 : index
          %get3A_290 = tpu.vector_load %arg5[%get3A_288, %get3A_289] {strides = array<i32>} : memref<256x128xi32, #tpu.memory_space<vmem>>, vector<1x16xi32>,
          %get3A_291 = vector.shape_cast %get3A_290 : vector<1x16xi32> to vector<16xi32>
          %shift_left3A_292 = arith.constant 7 : i32
          %shift_left3A_293 = vector.broadcast %shift_left3A_292 : i32 to vector<16xi32>
          %shift_left3A_294 = arith.shli %get3A_291, %shift_left3A_293 : vector<16xi32>
          %add3A_295 = arith.constant 16 : i32
          %add3A_296 = vector.broadcast %add3A_295 : i32 to vector<16xi32>
          %add3A_297 = arith.addi %iota3A, %add3A_296 : vector<16xi32>
          %add3A_298 = arith.addi %shift_left3A_294, %add3A_297 : vector<16xi32>
          %swap3A_299 = arith.index_cast %add3A_210 : i32 to index
          %swap3A_300 = arith.constant 80 : index
          %swap3A_301 = tpu.vector_load %arg5[%swap3A_299, %swap3A_300] {strides = array<i32>} : memref<256x128xi32, #tpu.memory_space<vmem>>, vector<1x16xi32>,
          %swap3A_302 = vector.shape_cast %swap3A_301 : vector<1x16xi32> to vector<16xi32>
          %swap3A_303 = vector.shape_cast %add3A_298 : vector<16xi32> to vector<1x16xi32>
          tpu.vector_store %arg5[%swap3A_299, %swap3A_300], %swap3A_303 {strides = array<i32>} : memref<256x128xi32, #tpu.memory_space<vmem>>, vector<1x16xi32>,
          %get3A_304 = arith.index_cast %add3A_210 : i32 to index
          %get3A_305 = arith.constant 96 : index
          %get3A_306 = tpu.vector_load %arg5[%get3A_304, %get3A_305] {strides = array<i32>} : memref<256x128xi32, #tpu.memory_space<vmem>>, vector<1x16xi32>,
          %get3A_307 = vector.shape_cast %get3A_306 : vector<1x16xi32> to vector<16xi32>
          %shift_left3A_308 = arith.constant 7 : i32
          %shift_left3A_309 = vector.broadcast %shift_left3A_308 : i32 to vector<16xi32>
          %shift_left3A_310 = arith.shli %get3A_307, %shift_left3A_309 : vector<16xi32>
          %add3A_311 = arith.constant 32 : i32
          %add3A_312 = vector.broadcast %add3A_311 : i32 to vector<16xi32>
          %add3A_313 = arith.addi %iota3A, %add3A_312 : vector<16xi32>
          %add3A_314 = arith.addi %shift_left3A_310, %add3A_313 : vector<16xi32>
          %swap3A_315 = arith.index_cast %add3A_210 : i32 to index
          %swap3A_316 = arith.constant 96 : index
          %swap3A_317 = tpu.vector_load %arg5[%swap3A_315, %swap3A_316] {strides = array<i32>} : memref<256x128xi32, #tpu.memory_space<vmem>>, vector<1x16xi32>,
          %swap3A_318 = vector.shape_cast %swap3A_317 : vector<1x16xi32> to vector<16xi32>
          %swap3A_319 = vector.shape_cast %add3A_314 : vector<16xi32> to vector<1x16xi32>
          tpu.vector_store %arg5[%swap3A_315, %swap3A_316], %swap3A_319 {strides = array<i32>} : memref<256x128xi32, #tpu.memory_space<vmem>>, vector<1x16xi32>,
          %get3A_320 = arith.index_cast %add3A_210 : i32 to index
          %get3A_321 = arith.constant 112 : index
          %get3A_322 = tpu.vector_load %arg5[%get3A_320, %get3A_321] {strides = array<i32>} : memref<256x128xi32, #tpu.memory_space<vmem>>, vector<1x16xi32>,
          %get3A_323 = vector.shape_cast %get3A_322 : vector<1x16xi32> to vector<16xi32>
          %shift_left3A_324 = arith.constant 7 : i32
          %shift_left3A_325 = vector.broadcast %shift_left3A_324 : i32 to vector<16xi32>
          %shift_left3A_326 = arith.shli %get3A_323, %shift_left3A_325 : vector<16xi32>
          %add3A_327 = arith.constant 48 : i32
          %add3A_328 = vector.broadcast %add3A_327 : i32 to vector<16xi32>
          %add3A_329 = arith.addi %iota3A, %add3A_328 : vector<16xi32>
          %add3A_330 = arith.addi %shift_left3A_326, %add3A_329 : vector<16xi32>
          %swap3A_331 = arith.index_cast %add3A_210 : i32 to index
          %swap3A_332 = arith.constant 112 : index
          %swap3A_333 = tpu.vector_load %arg5[%swap3A_331, %swap3A_332] {strides = array<i32>} : memref<256x128xi32, #tpu.memory_space<vmem>>, vector<1x16xi32>,
          %swap3A_334 = vector.shape_cast %swap3A_333 : vector<1x16xi32> to vector<16xi32>
          %swap3A_335 = vector.shape_cast %add3A_330 : vector<16xi32> to vector<1x16xi32>
          tpu.vector_store %arg5[%swap3A_331, %swap3A_332], %swap3A_335 {strides = array<i32>} : memref<256x128xi32, #tpu.memory_space<vmem>>, vector<1x16xi32>,
        }
        %while3A_207 = arith.constant 1 : i32
        scf.for %while3A_208 = %while3A_205 to %while3A_201 step %while3A_207  : i32 {
          %mul3A_209 = arith.muli %while3A_208, %while3A : i32
          %add3A_210 = arith.addi %mul3A_189, %mul3A_209 : i32
          %get3A = arith.index_cast %add3A_210 : i32 to index
          %get3A_211 = arith.constant 0 : index
          %get3A_212 = tpu.vector_load %arg5[%get3A, %get3A_211] {strides = array<i32>} : memref<256x128xi32, #tpu.memory_space<vmem>>, vector<1x16xi32>,
          %get3A_213 = vector.shape_cast %get3A_212 : vector<1x16xi32> to vector<16xi32>
          %shift_left3A = arith.constant 7 : i32
          %shift_left3A_214 = vector.broadcast %shift_left3A : i32 to vector<16xi32>
          %shift_left3A_215 = arith.shli %get3A_213, %shift_left3A_214 : vector<16xi32>
          %add3A_216 = arith.constant 0 : i32
          %add3A_217 = vector.broadcast %add3A_216 : i32 to vector<16xi32>
          %add3A_218 = arith.addi %iota3A, %add3A_217 : vector<16xi32>
          %add3A_219 = arith.addi %shift_left3A_215, %add3A_218 : vector<16xi32>
          %swap3A = arith.index_cast %add3A_210 : i32 to index
          %swap3A_220 = arith.constant 0 : index
          %swap3A_221 = tpu.vector_load %arg5[%swap3A, %swap3A_220] {strides = array<i32>} : memref<256x128xi32, #tpu.memory_space<vmem>>, vector<1x16xi32>,
          %swap3A_222 = vector.shape_cast %swap3A_221 : vector<1x16xi32> to vector<16xi32>
          %swap3A_223 = vector.shape_cast %add3A_219 : vector<16xi32> to vector<1x16xi32>
          tpu.vector_store %arg5[%swap3A, %swap3A_220], %swap3A_223 {strides = array<i32>} : memref<256x128xi32, #tpu.memory_space<vmem>>, vector<1x16xi32>,
          %get3A_224 = arith.index_cast %add3A_210 : i32 to index
          %get3A_225 = arith.constant 16 : index
          %get3A_226 = tpu.vector_load %arg5[%get3A_224, %get3A_225] {strides = array<i32>} : memref<256x128xi32, #tpu.memory_space<vmem>>, vector<1x16xi32>,
          %get3A_227 = vector.shape_cast %get3A_226 : vector<1x16xi32> to vector<16xi32>
          %shift_left3A_228 = arith.constant 7 : i32
          %shift_left3A_229 = vector.broadcast %shift_left3A_228 : i32 to vector<16xi32>
          %shift_left3A_230 = arith.shli %get3A_227, %shift_left3A_229 : vector<16xi32>
          %add3A_231 = arith.constant 16 : i32
          %add3A_232 = vector.broadcast %add3A_231 : i32 to vector<16xi32>
          %add3A_233 = arith.addi %iota3A, %add3A_232 : vector<16xi32>
          %add3A_234 = arith.addi %shift_left3A_230, %add3A_233 : vector<16xi32>
          %swap3A_235 = arith.index_cast %add3A_210 : i32 to index
          %swap3A_236 = arith.constant 16 : index
          %swap3A_237 = tpu.vector_load %arg5[%swap3A_235, %swap3A_236] {strides = array<i32>} : memref<256x128xi32, #tpu.memory_space<vmem>>, vector<1x16xi32>,
          %swap3A_238 = vector.shape_cast %swap3A_237 : vector<1x16xi32> to vector<16xi32>
          %swap3A_239 = vector.shape_cast %add3A_234 : vector<16xi32> to vector<1x16xi32>
          tpu.vector_store %arg5[%swap3A_235, %swap3A_236], %swap3A_239 {strides = array<i32>} : memref<256x128xi32, #tpu.memory_space<vmem>>, vector<1x16xi32>,
          %get3A_240 = arith.index_cast %add3A_210 : i32 to index
          %get3A_241 = arith.constant 32 : index
          %get3A_242 = tpu.vector_load %arg5[%get3A_240, %get3A_241] {strides = array<i32>} : memref<256x128xi32, #tpu.memory_space<vmem>>, vector<1x16xi32>,
          %get3A_243 = vector.shape_cast %get3A_242 : vector<1x16xi32> to vector<16xi32>
          %shift_left3A_244 = arith.constant 7 : i32
          %shift_left3A_245 = vector.broadcast %shift_left3A_244 : i32 to vector<16xi32>
          %shift_left3A_246 = arith.shli %get3A_243, %shift_left3A_245 : vector<16xi32>
          %add3A_247 = arith.constant 32 : i32
          %add3A_248 = vector.broadcast %add3A_247 : i32 to vector<16xi32>
          %add3A_249 = arith.addi %iota3A, %add3A_248 : vector<16xi32>
          %add3A_250 = arith.addi %shift_left3A_246, %add3A_249 : vector<16xi32>
          %swap3A_251 = arith.index_cast %add3A_210 : i32 to index
          %swap3A_252 = arith.constant 32 : index
          %swap3A_253 = tpu.vector_load %arg5[%swap3A_251, %swap3A_252] {strides = array<i32>} : memref<256x128xi32, #tpu.memory_space<vmem>>, vector<1x16xi32>,
          %swap3A_254 = vector.shape_cast %swap3A_253 : vector<1x16xi32> to vector<16xi32>
          %swap3A_255 = vector.shape_cast %add3A_250 : vector<16xi32> to vector<1x16xi32>
          tpu.vector_store %arg5[%swap3A_251, %swap3A_252], %swap3A_255 {strides = array<i32>} : memref<256x128xi32, #tpu.memory_space<vmem>>, vector<1x16xi32>,
          %get3A_256 = arith.index_cast %add3A_210 : i32 to index
          %get3A_257 = arith.constant 48 : index
          %get3A_258 = tpu.vector_load %arg5[%get3A_256, %get3A_257] {strides = array<i32>} : memref<256x128xi32, #tpu.memory_space<vmem>>, vector<1x16xi32>,
          %get3A_259 = vector.shape_cast %get3A_258 : vector<1x16xi32> to vector<16xi32>
          %shift_left3A_260 = arith.constant 7 : i32
          %shift_left3A_261 = vector.broadcast %shift_left3A_260 : i32 to vector<16xi32>
          %shift_left3A_262 = arith.shli %get3A_259, %shift_left3A_261 : vector<16xi32>
          %add3A_263 = arith.constant 48 : i32
          %add3A_264 = vector.broadcast %add3A_263 : i32 to vector<16xi32>
          %add3A_265 = arith.addi %iota3A, %add3A_264 : vector<16xi32>
          %add3A_266 = arith.addi %shift_left3A_262, %add3A_265 : vector<16xi32>
          %swap3A_267 = arith.index_cast %add3A_210 : i32 to index
          %swap3A_268 = arith.constant 48 : index
          %swap3A_269 = tpu.vector_load %arg5[%swap3A_267, %swap3A_268] {strides = array<i32>} : memref<256x128xi32, #tpu.memory_space<vmem>>, vector<1x16xi32>,
          %swap3A_270 = vector.shape_cast %swap3A_269 : vector<1x16xi32> to vector<16xi32>
          %swap3A_271 = vector.shape_cast %add3A_266 : vector<16xi32> to vector<1x16xi32>
          tpu.vector_store %arg5[%swap3A_267, %swap3A_268], %swap3A_271 {strides = array<i32>} : memref<256x128xi32, #tpu.memory_space<vmem>>, vector<1x16xi32>,
          %get3A_272 = arith.index_cast %add3A_210 : i32 to index
          %get3A_273 = arith.constant 64 : index
          %get3A_274 = tpu.vector_load %arg5[%get3A_272, %get3A_273] {strides = array<i32>} : memref<256x128xi32, #tpu.memory_space<vmem>>, vector<1x16xi32>,
          %get3A_275 = vector.shape_cast %get3A_274 : vector<1x16xi32> to vector<16xi32>
          %shift_left3A_276 = arith.constant 7 : i32
          %shift_left3A_277 = vector.broadcast %shift_left3A_276 : i32 to vector<16xi32>
          %shift_left3A_278 = arith.shli %get3A_275, %shift_left3A_277 : vector<16xi32>
          %add3A_279 = arith.constant 0 : i32
          %add3A_280 = vector.broadcast %add3A_279 : i32 to vector<16xi32>
          %add3A_281 = arith.addi %iota3A, %add3A_280 : vector<16xi32>
          %add3A_282 = arith.addi %shift_left3A_278, %add3A_281 : vector<16xi32>
          %swap3A_283 = arith.index_cast %add3A_210 : i32 to index
          %swap3A_284 = arith.constant 64 : index
          %swap3A_285 = tpu.vector_load %arg5[%swap3A_283, %swap3A_284] {strides = array<i32>} : memref<256x128xi32, #tpu.memory_space<vmem>>, vector<1x16xi32>,
          %swap3A_286 = vector.shape_cast %swap3A_285 : vector<1x16xi32> to vector<16xi32>
          %swap3A_287 = vector.shape_cast %add3A_282 : vector<16xi32> to vector<1x16xi32>
          tpu.vector_store %arg5[%swap3A_283, %swap3A_284], %swap3A_287 {strides = array<i32>} : memref<256x128xi32, #tpu.memory_space<vmem>>, vector<1x16xi32>,
          %get3A_288 = arith.index_cast %add3A_210 : i32 to index
          %get3A_289 = arith.constant 80 : index
          %get3A_290 = tpu.vector_load %arg5[%get3A_288, %get3A_289] {strides = array<i32>} : memref<256x128xi32, #tpu.memory_space<vmem>>, vector<1x16xi32>,
          %get3A_291 = vector.shape_cast %get3A_290 : vector<1x16xi32> to vector<16xi32>
          %shift_left3A_292 = arith.constant 7 : i32
          %shift_left3A_293 = vector.broadcast %shift_left3A_292 : i32 to vector<16xi32>
          %shift_left3A_294 = arith.shli %get3A_291, %shift_left3A_293 : vector<16xi32>
          %add3A_295 = arith.constant 16 : i32
          %add3A_296 = vector.broadcast %add3A_295 : i32 to vector<16xi32>
          %add3A_297 = arith.addi %iota3A, %add3A_296 : vector<16xi32>
          %add3A_298 = arith.addi %shift_left3A_294, %add3A_297 : vector<16xi32>
          %swap3A_299 = arith.index_cast %add3A_210 : i32 to index
          %swap3A_300 = arith.constant 80 : index
          %swap3A_301 = tpu.vector_load %arg5[%swap3A_299, %swap3A_300] {strides = array<i32>} : memref<256x128xi32, #tpu.memory_space<vmem>>, vector<1x16xi32>,
          %swap3A_302 = vector.shape_cast %swap3A_301 : vector<1x16xi32> to vector<16xi32>
          %swap3A_303 = vector.shape_cast %add3A_298 : vector<16xi32> to vector<1x16xi32>
          tpu.vector_store %arg5[%swap3A_299, %swap3A_300], %swap3A_303 {strides = array<i32>} : memref<256x128xi32, #tpu.memory_space<vmem>>, vector<1x16xi32>,
          %get3A_304 = arith.index_cast %add3A_210 : i32 to index
          %get3A_305 = arith.constant 96 : index
          %get3A_306 = tpu.vector_load %arg5[%get3A_304, %get3A_305] {strides = array<i32>} : memref<256x128xi32, #tpu.memory_space<vmem>>, vector<1x16xi32>,
          %get3A_307 = vector.shape_cast %get3A_306 : vector<1x16xi32> to vector<16xi32>
          %shift_left3A_308 = arith.constant 7 : i32
          %shift_left3A_309 = vector.broadcast %shift_left3A_308 : i32 to vector<16xi32>
          %shift_left3A_310 = arith.shli %get3A_307, %shift_left3A_309 : vector<16xi32>
          %add3A_311 = arith.constant 32 : i32
          %add3A_312 = vector.broadcast %add3A_311 : i32 to vector<16xi32>
          %add3A_313 = arith.addi %iota3A, %add3A_312 : vector<16xi32>
          %add3A_314 = arith.addi %shift_left3A_310, %add3A_313 : vector<16xi32>
          %swap3A_315 = arith.index_cast %add3A_210 : i32 to index
          %swap3A_316 = arith.constant 96 : index
          %swap3A_317 = tpu.vector_load %arg5[%swap3A_315, %swap3A_316] {strides = array<i32>} : memref<256x128xi32, #tpu.memory_space<vmem>>, vector<1x16xi32>,
          %swap3A_318 = vector.shape_cast %swap3A_317 : vector<1x16xi32> to vector<16xi32>
          %swap3A_319 = vector.shape_cast %add3A_314 : vector<16xi32> to vector<1x16xi32>
          tpu.vector_store %arg5[%swap3A_315, %swap3A_316], %swap3A_319 {strides = array<i32>} : memref<256x128xi32, #tpu.memory_space<vmem>>, vector<1x16xi32>,
          %get3A_320 = arith.index_cast %add3A_210 : i32 to index
          %get3A_321 = arith.constant 112 : index
          %get3A_322 = tpu.vector_load %arg5[%get3A_320, %get3A_321] {strides = array<i32>} : memref<256x128xi32, #tpu.memory_space<vmem>>, vector<1x16xi32>,
          %get3A_323 = vector.shape_cast %get3A_322 : vector<1x16xi32> to vector<16xi32>
          %shift_left3A_324 = arith.constant 7 : i32
          %shift_left3A_325 = vector.broadcast %shift_left3A_324 : i32 to vector<16xi32>
          %shift_left3A_326 = arith.shli %get3A_323, %shift_left3A_325 : vector<16xi32>
          %add3A_327 = arith.constant 48 : i32
          %add3A_328 = vector.broadcast %add3A_327 : i32 to vector<16xi32>
          %add3A_329 = arith.addi %iota3A, %add3A_328 : vector<16xi32>
          %add3A_330 = arith.addi %shift_left3A_326, %add3A_329 : vector<16xi32>
          %swap3A_331 = arith.index_cast %add3A_210 : i32 to index
          %swap3A_332 = arith.constant 112 : index
          %swap3A_333 = tpu.vector_load %arg5[%swap3A_331, %swap3A_332] {strides = array<i32>} : memref<256x128xi32, #tpu.memory_space<vmem>>, vector<1x16xi32>,
          %swap3A_334 = vector.shape_cast %swap3A_333 : vector<1x16xi32> to vector<16xi32>
          %swap3A_335 = vector.shape_cast %add3A_330 : vector<16xi32> to vector<1x16xi32>
          tpu.vector_store %arg5[%swap3A_331, %swap3A_332], %swap3A_335 {strides = array<i32>} : memref<256x128xi32, #tpu.memory_space<vmem>>, vector<1x16xi32>,
        }
      } else {
      }
      %ge3A = arith.constant 1 : i32
      %ge3A_119 = arith.cmpi sge, %add3A_19, %ge3A : i32
      %convert_element_type3A_120 = arith.extui %ge3A_119 : i1 to i32
      %cond3A_121 = arith.constant 0 : i32
      %cond3A_122 = arith.cmpi ne, %convert_element_type3A_120, %cond3A_121 : i32
      scf.if %cond3A_122 {
        %sub3A = arith.constant 1 : i32
        %sub3A_186 = arith.subi %add3A_19, %sub3A : i32
        %mul3A_187 = arith.constant 8 : i32
        %mul3A_188 = arith.muli %sub3A_186, %mul3A_187 : i32
        %mul3A_189 = arith.constant 8 : i32
        %mul3A_190 = arith.muli %add3A_19, %mul3A_189 : i32
        %sub3A_191 = arith.subi %mul3A_190, %mul3A_188 : i32
        %sub3A_192 = arith.constant 1 : i32
        %sub3A_193 = arith.constant 1 : i32
        %sub3A_194 = arith.subi %sub3A_192, %sub3A_193 : i32
        %add3A_195 = arith.addi %sub3A_191, %sub3A_194 : i32
        %div3A = arith.constant 1 : i32
        %div3A_196 = arith.divsi %add3A_195, %div3A : i32
        %while3A = arith.constant 1 : i32
        %while3A_197 = arith.constant 0 : i32
        %while3A_198 = arith.subi %div3A_196, %while3A_197 : i32
        %while3A_199 = arith.addi %while3A_197, %while3A_198 : i32
        %while3A_200 = arith.constant 1 : i32
        %while3A_201 = arith.divsi %while3A_198, %while3A_200 : i32
        %while3A_202 = arith.muli %while3A_201, %while3A_200 : i32
        %while3A_203 = arith.addi %while3A_197, %while3A_202 : i32
        %while3A_204 = arith.constant 1 : i32
        scf.for %while3A_206 = %while3A_197 to %while3A_203 step %while3A_204  : i32 {
          %mul3A_207 = arith.muli %while3A_206, %while3A : i32
          %add3A_208 = arith.addi %mul3A_188, %mul3A_207 : i32
          %get3A = arith.index_cast %add3A_208 : i32 to index
          %get3A_209 = arith.constant 0 : index
          %get3A_210 = tpu.vector_load %arg6[%get3A, %get3A_209] {strides = array<i32>} : memref<256x128xf32, #tpu.memory_space<vmem>>, vector<1x16xf32>,
          %get3A_211 = vector.shape_cast %get3A_210 : vector<1x16xf32> to vector<16xf32>
          %mul3A_212 = arith.constant 2.000000e+00 : f32
          %mul3A_213 = vector.broadcast %mul3A_212 : f32 to vector<16xf32>
          %mul3A_214 = arith.mulf %get3A_211, %mul3A_213 : vector<16xf32>
          %swap3A = arith.index_cast %add3A_208 : i32 to index
          %swap3A_215 = arith.constant 0 : index
          %swap3A_216 = tpu.vector_load %arg6[%swap3A, %swap3A_215] {strides = array<i32>} : memref<256x128xf32, #tpu.memory_space<vmem>>, vector<1x16xf32>,
          %swap3A_217 = vector.shape_cast %swap3A_216 : vector<1x16xf32> to vector<16xf32>
          %swap3A_218 = vector.shape_cast %mul3A_214 : vector<16xf32> to vector<1x16xf32>
          tpu.vector_store %arg6[%swap3A, %swap3A_215], %swap3A_218 {strides = array<i32>} : memref<256x128xf32, #tpu.memory_space<vmem>>, vector<1x16xf32>,
          %get3A_219 = arith.index_cast %add3A_208 : i32 to index
          %get3A_220 = arith.constant 16 : index
          %get3A_221 = tpu.vector_load %arg6[%get3A_219, %get3A_220] {strides = array<i32>} : memref<256x128xf32, #tpu.memory_space<vmem>>, vector<1x16xf32>,
          %get3A_222 = vector.shape_cast %get3A_221 : vector<1x16xf32> to vector<16xf32>
          %mul3A_223 = arith.constant 2.000000e+00 : f32
          %mul3A_224 = vector.broadcast %mul3A_223 : f32 to vector<16xf32>
          %mul3A_225 = arith.mulf %get3A_222, %mul3A_224 : vector<16xf32>
          %swap3A_226 = arith.index_cast %add3A_208 : i32 to index
          %swap3A_227 = arith.constant 16 : index
          %swap3A_228 = tpu.vector_load %arg6[%swap3A_226, %swap3A_227] {strides = array<i32>} : memref<256x128xf32, #tpu.memory_space<vmem>>, vector<1x16xf32>,
          %swap3A_229 = vector.shape_cast %swap3A_228 : vector<1x16xf32> to vector<16xf32>
          %swap3A_230 = vector.shape_cast %mul3A_225 : vector<16xf32> to vector<1x16xf32>
          tpu.vector_store %arg6[%swap3A_226, %swap3A_227], %swap3A_230 {strides = array<i32>} : memref<256x128xf32, #tpu.memory_space<vmem>>, vector<1x16xf32>,
          %get3A_231 = arith.index_cast %add3A_208 : i32 to index
          %get3A_232 = arith.constant 32 : index
          %get3A_233 = tpu.vector_load %arg6[%get3A_231, %get3A_232] {strides = array<i32>} : memref<256x128xf32, #tpu.memory_space<vmem>>, vector<1x16xf32>,
          %get3A_234 = vector.shape_cast %get3A_233 : vector<1x16xf32> to vector<16xf32>
          %mul3A_235 = arith.constant 2.000000e+00 : f32
          %mul3A_236 = vector.broadcast %mul3A_235 : f32 to vector<16xf32>
          %mul3A_237 = arith.mulf %get3A_234, %mul3A_236 : vector<16xf32>
          %swap3A_238 = arith.index_cast %add3A_208 : i32 to index
          %swap3A_239 = arith.constant 32 : index
          %swap3A_240 = tpu.vector_load %arg6[%swap3A_238, %swap3A_239] {strides = array<i32>} : memref<256x128xf32, #tpu.memory_space<vmem>>, vector<1x16xf32>,
          %swap3A_241 = vector.shape_cast %swap3A_240 : vector<1x16xf32> to vector<16xf32>
          %swap3A_242 = vector.shape_cast %mul3A_237 : vector<16xf32> to vector<1x16xf32>
          tpu.vector_store %arg6[%swap3A_238, %swap3A_239], %swap3A_242 {strides = array<i32>} : memref<256x128xf32, #tpu.memory_space<vmem>>, vector<1x16xf32>,
          %get3A_243 = arith.index_cast %add3A_208 : i32 to index
          %get3A_244 = arith.constant 48 : index
          %get3A_245 = tpu.vector_load %arg6[%get3A_243, %get3A_244] {strides = array<i32>} : memref<256x128xf32, #tpu.memory_space<vmem>>, vector<1x16xf32>,
          %get3A_246 = vector.shape_cast %get3A_245 : vector<1x16xf32> to vector<16xf32>
          %mul3A_247 = arith.constant 2.000000e+00 : f32
          %mul3A_248 = vector.broadcast %mul3A_247 : f32 to vector<16xf32>
          %mul3A_249 = arith.mulf %get3A_246, %mul3A_248 : vector<16xf32>
          %swap3A_250 = arith.index_cast %add3A_208 : i32 to index
          %swap3A_251 = arith.constant 48 : index
          %swap3A_252 = tpu.vector_load %arg6[%swap3A_250, %swap3A_251] {strides = array<i32>} : memref<256x128xf32, #tpu.memory_space<vmem>>, vector<1x16xf32>,
          %swap3A_253 = vector.shape_cast %swap3A_252 : vector<1x16xf32> to vector<16xf32>
          %swap3A_254 = vector.shape_cast %mul3A_249 : vector<16xf32> to vector<1x16xf32>
          tpu.vector_store %arg6[%swap3A_250, %swap3A_251], %swap3A_254 {strides = array<i32>} : memref<256x128xf32, #tpu.memory_space<vmem>>, vector<1x16xf32>,
          %get3A_255 = arith.index_cast %add3A_208 : i32 to index
          %get3A_256 = arith.constant 64 : index
          %get3A_257 = tpu.vector_load %arg6[%get3A_255, %get3A_256] {strides = array<i32>} : memref<256x128xf32, #tpu.memory_space<vmem>>, vector<1x16xf32>,
          %get3A_258 = vector.shape_cast %get3A_257 : vector<1x16xf32> to vector<16xf32>
          %mul3A_259 = arith.constant 2.000000e+00 : f32
          %mul3A_260 = vector.broadcast %mul3A_259 : f32 to vector<16xf32>
          %mul3A_261 = arith.mulf %get3A_258, %mul3A_260 : vector<16xf32>
          %swap3A_262 = arith.index_cast %add3A_208 : i32 to index
          %swap3A_263 = arith.constant 64 : index
          %swap3A_264 = tpu.vector_load %arg6[%swap3A_262, %swap3A_263] {strides = array<i32>} : memref<256x128xf32, #tpu.memory_space<vmem>>, vector<1x16xf32>,
          %swap3A_265 = vector.shape_cast %swap3A_264 : vector<1x16xf32> to vector<16xf32>
          %swap3A_266 = vector.shape_cast %mul3A_261 : vector<16xf32> to vector<1x16xf32>
          tpu.vector_store %arg6[%swap3A_262, %swap3A_263], %swap3A_266 {strides = array<i32>} : memref<256x128xf32, #tpu.memory_space<vmem>>, vector<1x16xf32>,
          %get3A_267 = arith.index_cast %add3A_208 : i32 to index
          %get3A_268 = arith.constant 80 : index
          %get3A_269 = tpu.vector_load %arg6[%get3A_267, %get3A_268] {strides = array<i32>} : memref<256x128xf32, #tpu.memory_space<vmem>>, vector<1x16xf32>,
          %get3A_270 = vector.shape_cast %get3A_269 : vector<1x16xf32> to vector<16xf32>
          %mul3A_271 = arith.constant 2.000000e+00 : f32
          %mul3A_272 = vector.broadcast %mul3A_271 : f32 to vector<16xf32>
          %mul3A_273 = arith.mulf %get3A_270, %mul3A_272 : vector<16xf32>
          %swap3A_274 = arith.index_cast %add3A_208 : i32 to index
          %swap3A_275 = arith.constant 80 : index
          %swap3A_276 = tpu.vector_load %arg6[%swap3A_274, %swap3A_275] {strides = array<i32>} : memref<256x128xf32, #tpu.memory_space<vmem>>, vector<1x16xf32>,
          %swap3A_277 = vector.shape_cast %swap3A_276 : vector<1x16xf32> to vector<16xf32>
          %swap3A_278 = vector.shape_cast %mul3A_273 : vector<16xf32> to vector<1x16xf32>
          tpu.vector_store %arg6[%swap3A_274, %swap3A_275], %swap3A_278 {strides = array<i32>} : memref<256x128xf32, #tpu.memory_space<vmem>>, vector<1x16xf32>,
          %get3A_279 = arith.index_cast %add3A_208 : i32 to index
          %get3A_280 = arith.constant 96 : index
          %get3A_281 = tpu.vector_load %arg6[%get3A_279, %get3A_280] {strides = array<i32>} : memref<256x128xf32, #tpu.memory_space<vmem>>, vector<1x16xf32>,
          %get3A_282 = vector.shape_cast %get3A_281 : vector<1x16xf32> to vector<16xf32>
          %mul3A_283 = arith.constant 2.000000e+00 : f32
          %mul3A_284 = vector.broadcast %mul3A_283 : f32 to vector<16xf32>
          %mul3A_285 = arith.mulf %get3A_282, %mul3A_284 : vector<16xf32>
          %swap3A_286 = arith.index_cast %add3A_208 : i32 to index
          %swap3A_287 = arith.constant 96 : index
          %swap3A_288 = tpu.vector_load %arg6[%swap3A_286, %swap3A_287] {strides = array<i32>} : memref<256x128xf32, #tpu.memory_space<vmem>>, vector<1x16xf32>,
          %swap3A_289 = vector.shape_cast %swap3A_288 : vector<1x16xf32> to vector<16xf32>
          %swap3A_290 = vector.shape_cast %mul3A_285 : vector<16xf32> to vector<1x16xf32>
          tpu.vector_store %arg6[%swap3A_286, %swap3A_287], %swap3A_290 {strides = array<i32>} : memref<256x128xf32, #tpu.memory_space<vmem>>, vector<1x16xf32>,
          %get3A_291 = arith.index_cast %add3A_208 : i32 to index
          %get3A_292 = arith.constant 112 : index
          %get3A_293 = tpu.vector_load %arg6[%get3A_291, %get3A_292] {strides = array<i32>} : memref<256x128xf32, #tpu.memory_space<vmem>>, vector<1x16xf32>,
          %get3A_294 = vector.shape_cast %get3A_293 : vector<1x16xf32> to vector<16xf32>
          %mul3A_295 = arith.constant 2.000000e+00 : f32
          %mul3A_296 = vector.broadcast %mul3A_295 : f32 to vector<16xf32>
          %mul3A_297 = arith.mulf %get3A_294, %mul3A_296 : vector<16xf32>
          %swap3A_298 = arith.index_cast %add3A_208 : i32 to index
          %swap3A_299 = arith.constant 112 : index
          %swap3A_300 = tpu.vector_load %arg6[%swap3A_298, %swap3A_299] {strides = array<i32>} : memref<256x128xf32, #tpu.memory_space<vmem>>, vector<1x16xf32>,
          %swap3A_301 = vector.shape_cast %swap3A_300 : vector<1x16xf32> to vector<16xf32>
          %swap3A_302 = vector.shape_cast %mul3A_297 : vector<16xf32> to vector<1x16xf32>
          tpu.vector_store %arg6[%swap3A_298, %swap3A_299], %swap3A_302 {strides = array<i32>} : memref<256x128xf32, #tpu.memory_space<vmem>>, vector<1x16xf32>,
        }
        %while3A_205 = arith.constant 1 : i32
        scf.for %while3A_206 = %while3A_203 to %while3A_199 step %while3A_205  : i32 {
          %mul3A_207 = arith.muli %while3A_206, %while3A : i32
          %add3A_208 = arith.addi %mul3A_188, %mul3A_207 : i32
          %get3A = arith.index_cast %add3A_208 : i32 to index
          %get3A_209 = arith.constant 0 : index
          %get3A_210 = tpu.vector_load %arg6[%get3A, %get3A_209] {strides = array<i32>} : memref<256x128xf32, #tpu.memory_space<vmem>>, vector<1x16xf32>,
          %get3A_211 = vector.shape_cast %get3A_210 : vector<1x16xf32> to vector<16xf32>
          %mul3A_212 = arith.constant 2.000000e+00 : f32
          %mul3A_213 = vector.broadcast %mul3A_212 : f32 to vector<16xf32>
          %mul3A_214 = arith.mulf %get3A_211, %mul3A_213 : vector<16xf32>
          %swap3A = arith.index_cast %add3A_208 : i32 to index
          %swap3A_215 = arith.constant 0 : index
          %swap3A_216 = tpu.vector_load %arg6[%swap3A, %swap3A_215] {strides = array<i32>} : memref<256x128xf32, #tpu.memory_space<vmem>>, vector<1x16xf32>,
          %swap3A_217 = vector.shape_cast %swap3A_216 : vector<1x16xf32> to vector<16xf32>
          %swap3A_218 = vector.shape_cast %mul3A_214 : vector<16xf32> to vector<1x16xf32>
          tpu.vector_store %arg6[%swap3A, %swap3A_215], %swap3A_218 {strides = array<i32>} : memref<256x128xf32, #tpu.memory_space<vmem>>, vector<1x16xf32>,
          %get3A_219 = arith.index_cast %add3A_208 : i32 to index
          %get3A_220 = arith.constant 16 : index
          %get3A_221 = tpu.vector_load %arg6[%get3A_219, %get3A_220] {strides = array<i32>} : memref<256x128xf32, #tpu.memory_space<vmem>>, vector<1x16xf32>,
          %get3A_222 = vector.shape_cast %get3A_221 : vector<1x16xf32> to vector<16xf32>
          %mul3A_223 = arith.constant 2.000000e+00 : f32
          %mul3A_224 = vector.broadcast %mul3A_223 : f32 to vector<16xf32>
          %mul3A_225 = arith.mulf %get3A_222, %mul3A_224 : vector<16xf32>
          %swap3A_226 = arith.index_cast %add3A_208 : i32 to index
          %swap3A_227 = arith.constant 16 : index
          %swap3A_228 = tpu.vector_load %arg6[%swap3A_226, %swap3A_227] {strides = array<i32>} : memref<256x128xf32, #tpu.memory_space<vmem>>, vector<1x16xf32>,
          %swap3A_229 = vector.shape_cast %swap3A_228 : vector<1x16xf32> to vector<16xf32>
          %swap3A_230 = vector.shape_cast %mul3A_225 : vector<16xf32> to vector<1x16xf32>
          tpu.vector_store %arg6[%swap3A_226, %swap3A_227], %swap3A_230 {strides = array<i32>} : memref<256x128xf32, #tpu.memory_space<vmem>>, vector<1x16xf32>,
          %get3A_231 = arith.index_cast %add3A_208 : i32 to index
          %get3A_232 = arith.constant 32 : index
          %get3A_233 = tpu.vector_load %arg6[%get3A_231, %get3A_232] {strides = array<i32>} : memref<256x128xf32, #tpu.memory_space<vmem>>, vector<1x16xf32>,
          %get3A_234 = vector.shape_cast %get3A_233 : vector<1x16xf32> to vector<16xf32>
          %mul3A_235 = arith.constant 2.000000e+00 : f32
          %mul3A_236 = vector.broadcast %mul3A_235 : f32 to vector<16xf32>
          %mul3A_237 = arith.mulf %get3A_234, %mul3A_236 : vector<16xf32>
          %swap3A_238 = arith.index_cast %add3A_208 : i32 to index
          %swap3A_239 = arith.constant 32 : index
          %swap3A_240 = tpu.vector_load %arg6[%swap3A_238, %swap3A_239] {strides = array<i32>} : memref<256x128xf32, #tpu.memory_space<vmem>>, vector<1x16xf32>,
          %swap3A_241 = vector.shape_cast %swap3A_240 : vector<1x16xf32> to vector<16xf32>
          %swap3A_242 = vector.shape_cast %mul3A_237 : vector<16xf32> to vector<1x16xf32>
          tpu.vector_store %arg6[%swap3A_238, %swap3A_239], %swap3A_242 {strides = array<i32>} : memref<256x128xf32, #tpu.memory_space<vmem>>, vector<1x16xf32>,
          %get3A_243 = arith.index_cast %add3A_208 : i32 to index
          %get3A_244 = arith.constant 48 : index
          %get3A_245 = tpu.vector_load %arg6[%get3A_243, %get3A_244] {strides = array<i32>} : memref<256x128xf32, #tpu.memory_space<vmem>>, vector<1x16xf32>,
          %get3A_246 = vector.shape_cast %get3A_245 : vector<1x16xf32> to vector<16xf32>
          %mul3A_247 = arith.constant 2.000000e+00 : f32
          %mul3A_248 = vector.broadcast %mul3A_247 : f32 to vector<16xf32>
          %mul3A_249 = arith.mulf %get3A_246, %mul3A_248 : vector<16xf32>
          %swap3A_250 = arith.index_cast %add3A_208 : i32 to index
          %swap3A_251 = arith.constant 48 : index
          %swap3A_252 = tpu.vector_load %arg6[%swap3A_250, %swap3A_251] {strides = array<i32>} : memref<256x128xf32, #tpu.memory_space<vmem>>, vector<1x16xf32>,
          %swap3A_253 = vector.shape_cast %swap3A_252 : vector<1x16xf32> to vector<16xf32>
          %swap3A_254 = vector.shape_cast %mul3A_249 : vector<16xf32> to vector<1x16xf32>
          tpu.vector_store %arg6[%swap3A_250, %swap3A_251], %swap3A_254 {strides = array<i32>} : memref<256x128xf32, #tpu.memory_space<vmem>>, vector<1x16xf32>,
          %get3A_255 = arith.index_cast %add3A_208 : i32 to index
          %get3A_256 = arith.constant 64 : index
          %get3A_257 = tpu.vector_load %arg6[%get3A_255, %get3A_256] {strides = array<i32>} : memref<256x128xf32, #tpu.memory_space<vmem>>, vector<1x16xf32>,
          %get3A_258 = vector.shape_cast %get3A_257 : vector<1x16xf32> to vector<16xf32>
          %mul3A_259 = arith.constant 2.000000e+00 : f32
          %mul3A_260 = vector.broadcast %mul3A_259 : f32 to vector<16xf32>
          %mul3A_261 = arith.mulf %get3A_258, %mul3A_260 : vector<16xf32>
          %swap3A_262 = arith.index_cast %add3A_208 : i32 to index
          %swap3A_263 = arith.constant 64 : index
          %swap3A_264 = tpu.vector_load %arg6[%swap3A_262, %swap3A_263] {strides = array<i32>} : memref<256x128xf32, #tpu.memory_space<vmem>>, vector<1x16xf32>,
          %swap3A_265 = vector.shape_cast %swap3A_264 : vector<1x16xf32> to vector<16xf32>
          %swap3A_266 = vector.shape_cast %mul3A_261 : vector<16xf32> to vector<1x16xf32>
          tpu.vector_store %arg6[%swap3A_262, %swap3A_263], %swap3A_266 {strides = array<i32>} : memref<256x128xf32, #tpu.memory_space<vmem>>, vector<1x16xf32>,
          %get3A_267 = arith.index_cast %add3A_208 : i32 to index
          %get3A_268 = arith.constant 80 : index
          %get3A_269 = tpu.vector_load %arg6[%get3A_267, %get3A_268] {strides = array<i32>} : memref<256x128xf32, #tpu.memory_space<vmem>>, vector<1x16xf32>,
          %get3A_270 = vector.shape_cast %get3A_269 : vector<1x16xf32> to vector<16xf32>
          %mul3A_271 = arith.constant 2.000000e+00 : f32
          %mul3A_272 = vector.broadcast %mul3A_271 : f32 to vector<16xf32>
          %mul3A_273 = arith.mulf %get3A_270, %mul3A_272 : vector<16xf32>
          %swap3A_274 = arith.index_cast %add3A_208 : i32 to index
          %swap3A_275 = arith.constant 80 : index
          %swap3A_276 = tpu.vector_load %arg6[%swap3A_274, %swap3A_275] {strides = array<i32>} : memref<256x128xf32, #tpu.memory_space<vmem>>, vector<1x16xf32>,
          %swap3A_277 = vector.shape_cast %swap3A_276 : vector<1x16xf32> to vector<16xf32>
          %swap3A_278 = vector.shape_cast %mul3A_273 : vector<16xf32> to vector<1x16xf32>
          tpu.vector_store %arg6[%swap3A_274, %swap3A_275], %swap3A_278 {strides = array<i32>} : memref<256x128xf32, #tpu.memory_space<vmem>>, vector<1x16xf32>,
          %get3A_279 = arith.index_cast %add3A_208 : i32 to index
          %get3A_280 = arith.constant 96 : index
          %get3A_281 = tpu.vector_load %arg6[%get3A_279, %get3A_280] {strides = array<i32>} : memref<256x128xf32, #tpu.memory_space<vmem>>, vector<1x16xf32>,
          %get3A_282 = vector.shape_cast %get3A_281 : vector<1x16xf32> to vector<16xf32>
          %mul3A_283 = arith.constant 2.000000e+00 : f32
          %mul3A_284 = vector.broadcast %mul3A_283 : f32 to vector<16xf32>
          %mul3A_285 = arith.mulf %get3A_282, %mul3A_284 : vector<16xf32>
          %swap3A_286 = arith.index_cast %add3A_208 : i32 to index
          %swap3A_287 = arith.constant 96 : index
          %swap3A_288 = tpu.vector_load %arg6[%swap3A_286, %swap3A_287] {strides = array<i32>} : memref<256x128xf32, #tpu.memory_space<vmem>>, vector<1x16xf32>,
          %swap3A_289 = vector.shape_cast %swap3A_288 : vector<1x16xf32> to vector<16xf32>
          %swap3A_290 = vector.shape_cast %mul3A_285 : vector<16xf32> to vector<1x16xf32>
          tpu.vector_store %arg6[%swap3A_286, %swap3A_287], %swap3A_290 {strides = array<i32>} : memref<256x128xf32, #tpu.memory_space<vmem>>, vector<1x16xf32>,
          %get3A_291 = arith.index_cast %add3A_208 : i32 to index
          %get3A_292 = arith.constant 112 : index
          %get3A_293 = tpu.vector_load %arg6[%get3A_291, %get3A_292] {strides = array<i32>} : memref<256x128xf32, #tpu.memory_space<vmem>>, vector<1x16xf32>,
          %get3A_294 = vector.shape_cast %get3A_293 : vector<1x16xf32> to vector<16xf32>
          %mul3A_295 = arith.constant 2.000000e+00 : f32
          %mul3A_296 = vector.broadcast %mul3A_295 : f32 to vector<16xf32>
          %mul3A_297 = arith.mulf %get3A_294, %mul3A_296 : vector<16xf32>
          %swap3A_298 = arith.index_cast %add3A_208 : i32 to index
          %swap3A_299 = arith.constant 112 : index
          %swap3A_300 = tpu.vector_load %arg6[%swap3A_298, %swap3A_299] {strides = array<i32>} : memref<256x128xf32, #tpu.memory_space<vmem>>, vector<1x16xf32>,
          %swap3A_301 = vector.shape_cast %swap3A_300 : vector<1x16xf32> to vector<16xf32>
          %swap3A_302 = vector.shape_cast %mul3A_297 : vector<16xf32> to vector<1x16xf32>
          tpu.vector_store %arg6[%swap3A_298, %swap3A_299], %swap3A_302 {strides = array<i32>} : memref<256x128xf32, #tpu.memory_space<vmem>>, vector<1x16xf32>,
        }
      } else {
      }
      %dma_wait3A = arith.constant 0 : i32
      %dma_wait3A_123 = tpu.memref_slice %arg6[%add3A_23, %dma_wait3A] : memref<256x128xf32, #tpu.memory_space<vmem>> -> memref<1x128xf32, #tpu.memory_space<vmem>>
      %dma_wait3A_124 = tpu.memref_squeeze %dma_wait3A_123 : memref<1x128xf32, #tpu.memory_space<vmem>> -> memref<128xf32, #tpu.memory_space<vmem>>
      %dma_wait3A_125 = arith.constant 0 : i32
      %dma_wait3A_126 = tpu.memref_slice %arg5[%add3A_23, %dma_wait3A_125] : memref<256x128xi32, #tpu.memory_space<vmem>> -> memref<1x128xi32, #tpu.memory_space<vmem>>
      %dma_wait3A_127 = tpu.memref_squeeze %dma_wait3A_126 : memref<1x128xi32, #tpu.memory_space<vmem>> -> memref<128xi32, #tpu.memory_space<vmem>>
      %dma_wait3A_128 = arith.constant 0 : i32
      %dma_wait3A_129 = tpu.memref_slice %arg2[%dma_wait3A_128] : memref<128000000xf32, #tpu.memory_space<hbm>> -> memref<128000000xf32, #tpu.memory_space<hbm>>
      tpu.wait_indirect_dma semaphore(%arg7 : memref<!tpu.dma_semaphore, #tpu.memory_space<semaphore_mem>>) src(%dma_wait3A_129 : memref<128000000xf32, #tpu.memory_space<hbm>>) dst(%dma_wait3A_124 : memref<128xf32, #tpu.memory_space<vmem>>)
      %dma_wait3A_130 = arith.constant 0 : i32
      %dma_wait3A_131 = tpu.memref_slice %arg6[%add3A_34, %dma_wait3A_130] : memref<256x128xf32, #tpu.memory_space<vmem>> -> memref<1x128xf32, #tpu.memory_space<vmem>>
      %dma_wait3A_132 = tpu.memref_squeeze %dma_wait3A_131 : memref<1x128xf32, #tpu.memory_space<vmem>> -> memref<128xf32, #tpu.memory_space<vmem>>
      %dma_wait3A_133 = arith.constant 0 : i32
      %dma_wait3A_134 = tpu.memref_slice %arg5[%add3A_34, %dma_wait3A_133] : memref<256x128xi32, #tpu.memory_space<vmem>> -> memref<1x128xi32, #tpu.memory_space<vmem>>
      %dma_wait3A_135 = tpu.memref_squeeze %dma_wait3A_134 : memref<1x128xi32, #tpu.memory_space<vmem>> -> memref<128xi32, #tpu.memory_space<vmem>>
      %dma_wait3A_136 = arith.constant 0 : i32
      %dma_wait3A_137 = tpu.memref_slice %arg2[%dma_wait3A_136] : memref<128000000xf32, #tpu.memory_space<hbm>> -> memref<128000000xf32, #tpu.memory_space<hbm>>
      tpu.wait_indirect_dma semaphore(%arg7 : memref<!tpu.dma_semaphore, #tpu.memory_space<semaphore_mem>>) src(%dma_wait3A_137 : memref<128000000xf32, #tpu.memory_space<hbm>>) dst(%dma_wait3A_132 : memref<128xf32, #tpu.memory_space<vmem>>)
      %dma_wait3A_138 = arith.constant 0 : i32
      %dma_wait3A_139 = tpu.memref_slice %arg6[%add3A_46, %dma_wait3A_138] : memref<256x128xf32, #tpu.memory_space<vmem>> -> memref<1x128xf32, #tpu.memory_space<vmem>>
      %dma_wait3A_140 = tpu.memref_squeeze %dma_wait3A_139 : memref<1x128xf32, #tpu.memory_space<vmem>> -> memref<128xf32, #tpu.memory_space<vmem>>
      %dma_wait3A_141 = arith.constant 0 : i32
      %dma_wait3A_142 = tpu.memref_slice %arg5[%add3A_46, %dma_wait3A_141] : memref<256x128xi32, #tpu.memory_space<vmem>> -> memref<1x128xi32, #tpu.memory_space<vmem>>
      %dma_wait3A_143 = tpu.memref_squeeze %dma_wait3A_142 : memref<1x128xi32, #tpu.memory_space<vmem>> -> memref<128xi32, #tpu.memory_space<vmem>>
      %dma_wait3A_144 = arith.constant 0 : i32
      %dma_wait3A_145 = tpu.memref_slice %arg2[%dma_wait3A_144] : memref<128000000xf32, #tpu.memory_space<hbm>> -> memref<128000000xf32, #tpu.memory_space<hbm>>
      tpu.wait_indirect_dma semaphore(%arg7 : memref<!tpu.dma_semaphore, #tpu.memory_space<semaphore_mem>>) src(%dma_wait3A_145 : memref<128000000xf32, #tpu.memory_space<hbm>>) dst(%dma_wait3A_140 : memref<128xf32, #tpu.memory_space<vmem>>)
      %dma_wait3A_146 = arith.constant 0 : i32
      %dma_wait3A_147 = tpu.memref_slice %arg6[%add3A_58, %dma_wait3A_146] : memref<256x128xf32, #tpu.memory_space<vmem>> -> memref<1x128xf32, #tpu.memory_space<vmem>>
      %dma_wait3A_148 = tpu.memref_squeeze %dma_wait3A_147 : memref<1x128xf32, #tpu.memory_space<vmem>> -> memref<128xf32, #tpu.memory_space<vmem>>
      %dma_wait3A_149 = arith.constant 0 : i32
      %dma_wait3A_150 = tpu.memref_slice %arg5[%add3A_58, %dma_wait3A_149] : memref<256x128xi32, #tpu.memory_space<vmem>> -> memref<1x128xi32, #tpu.memory_space<vmem>>
      %dma_wait3A_151 = tpu.memref_squeeze %dma_wait3A_150 : memref<1x128xi32, #tpu.memory_space<vmem>> -> memref<128xi32, #tpu.memory_space<vmem>>
      %dma_wait3A_152 = arith.constant 0 : i32
      %dma_wait3A_153 = tpu.memref_slice %arg2[%dma_wait3A_152] : memref<128000000xf32, #tpu.memory_space<hbm>> -> memref<128000000xf32, #tpu.memory_space<hbm>>
      tpu.wait_indirect_dma semaphore(%arg7 : memref<!tpu.dma_semaphore, #tpu.memory_space<semaphore_mem>>) src(%dma_wait3A_153 : memref<128000000xf32, #tpu.memory_space<hbm>>) dst(%dma_wait3A_148 : memref<128xf32, #tpu.memory_space<vmem>>)
      %dma_wait3A_154 = arith.constant 0 : i32
      %dma_wait3A_155 = tpu.memref_slice %arg6[%add3A_70, %dma_wait3A_154] : memref<256x128xf32, #tpu.memory_space<vmem>> -> memref<1x128xf32, #tpu.memory_space<vmem>>
      %dma_wait3A_156 = tpu.memref_squeeze %dma_wait3A_155 : memref<1x128xf32, #tpu.memory_space<vmem>> -> memref<128xf32, #tpu.memory_space<vmem>>
      %dma_wait3A_157 = arith.constant 0 : i32
      %dma_wait3A_158 = tpu.memref_slice %arg5[%add3A_70, %dma_wait3A_157] : memref<256x128xi32, #tpu.memory_space<vmem>> -> memref<1x128xi32, #tpu.memory_space<vmem>>
      %dma_wait3A_159 = tpu.memref_squeeze %dma_wait3A_158 : memref<1x128xi32, #tpu.memory_space<vmem>> -> memref<128xi32, #tpu.memory_space<vmem>>
      %dma_wait3A_160 = arith.constant 0 : i32
      %dma_wait3A_161 = tpu.memref_slice %arg2[%dma_wait3A_160] : memref<128000000xf32, #tpu.memory_space<hbm>> -> memref<128000000xf32, #tpu.memory_space<hbm>>
      tpu.wait_indirect_dma semaphore(%arg7 : memref<!tpu.dma_semaphore, #tpu.memory_space<semaphore_mem>>) src(%dma_wait3A_161 : memref<128000000xf32, #tpu.memory_space<hbm>>) dst(%dma_wait3A_156 : memref<128xf32, #tpu.memory_space<vmem>>)
      %dma_wait3A_162 = arith.constant 0 : i32
      %dma_wait3A_163 = tpu.memref_slice %arg6[%add3A_82, %dma_wait3A_162] : memref<256x128xf32, #tpu.memory_space<vmem>> -> memref<1x128xf32, #tpu.memory_space<vmem>>
      %dma_wait3A_164 = tpu.memref_squeeze %dma_wait3A_163 : memref<1x128xf32, #tpu.memory_space<vmem>> -> memref<128xf32, #tpu.memory_space<vmem>>
      %dma_wait3A_165 = arith.constant 0 : i32
      %dma_wait3A_166 = tpu.memref_slice %arg5[%add3A_82, %dma_wait3A_165] : memref<256x128xi32, #tpu.memory_space<vmem>> -> memref<1x128xi32, #tpu.memory_space<vmem>>
      %dma_wait3A_167 = tpu.memref_squeeze %dma_wait3A_166 : memref<1x128xi32, #tpu.memory_space<vmem>> -> memref<128xi32, #tpu.memory_space<vmem>>
      %dma_wait3A_168 = arith.constant 0 : i32
      %dma_wait3A_169 = tpu.memref_slice %arg2[%dma_wait3A_168] : memref<128000000xf32, #tpu.memory_space<hbm>> -> memref<128000000xf32, #tpu.memory_space<hbm>>
      tpu.wait_indirect_dma semaphore(%arg7 : memref<!tpu.dma_semaphore, #tpu.memory_space<semaphore_mem>>) src(%dma_wait3A_169 : memref<128000000xf32, #tpu.memory_space<hbm>>) dst(%dma_wait3A_164 : memref<128xf32, #tpu.memory_space<vmem>>)
      %dma_wait3A_170 = arith.constant 0 : i32
      %dma_wait3A_171 = tpu.memref_slice %arg6[%add3A_94, %dma_wait3A_170] : memref<256x128xf32, #tpu.memory_space<vmem>> -> memref<1x128xf32, #tpu.memory_space<vmem>>
      %dma_wait3A_172 = tpu.memref_squeeze %dma_wait3A_171 : memref<1x128xf32, #tpu.memory_space<vmem>> -> memref<128xf32, #tpu.memory_space<vmem>>
      %dma_wait3A_173 = arith.constant 0 : i32
      %dma_wait3A_174 = tpu.memref_slice %arg5[%add3A_94, %dma_wait3A_173] : memref<256x128xi32, #tpu.memory_space<vmem>> -> memref<1x128xi32, #tpu.memory_space<vmem>>
      %dma_wait3A_175 = tpu.memref_squeeze %dma_wait3A_174 : memref<1x128xi32, #tpu.memory_space<vmem>> -> memref<128xi32, #tpu.memory_space<vmem>>
      %dma_wait3A_176 = arith.constant 0 : i32
      %dma_wait3A_177 = tpu.memref_slice %arg2[%dma_wait3A_176] : memref<128000000xf32, #tpu.memory_space<hbm>> -> memref<128000000xf32, #tpu.memory_space<hbm>>
      tpu.wait_indirect_dma semaphore(%arg7 : memref<!tpu.dma_semaphore, #tpu.memory_space<semaphore_mem>>) src(%dma_wait3A_177 : memref<128000000xf32, #tpu.memory_space<hbm>>) dst(%dma_wait3A_172 : memref<128xf32, #tpu.memory_space<vmem>>)
      %dma_wait3A_178 = arith.constant 0 : i32
      %dma_wait3A_179 = tpu.memref_slice %arg6[%add3A_106, %dma_wait3A_178] : memref<256x128xf32, #tpu.memory_space<vmem>> -> memref<1x128xf32, #tpu.memory_space<vmem>>
      %dma_wait3A_180 = tpu.memref_squeeze %dma_wait3A_179 : memref<1x128xf32, #tpu.memory_space<vmem>> -> memref<128xf32, #tpu.memory_space<vmem>>
      %dma_wait3A_181 = arith.constant 0 : i32
      %dma_wait3A_182 = tpu.memref_slice %arg5[%add3A_106, %dma_wait3A_181] : memref<256x128xi32, #tpu.memory_space<vmem>> -> memref<1x128xi32, #tpu.memory_space<vmem>>
      %dma_wait3A_183 = tpu.memref_squeeze %dma_wait3A_182 : memref<1x128xi32, #tpu.memory_space<vmem>> -> memref<128xi32, #tpu.memory_space<vmem>>
      %dma_wait3A_184 = arith.constant 0 : i32
      %dma_wait3A_185 = tpu.memref_slice %arg2[%dma_wait3A_184] : memref<128000000xf32, #tpu.memory_space<hbm>> -> memref<128000000xf32, #tpu.memory_space<hbm>>
      tpu.wait_indirect_dma semaphore(%arg7 : memref<!tpu.dma_semaphore, #tpu.memory_space<semaphore_mem>>) src(%dma_wait3A_185 : memref<128000000xf32, #tpu.memory_space<hbm>>) dst(%dma_wait3A_180 : memref<128xf32, #tpu.memory_space<vmem>>)
    }
    %scan3A_9 = arith.constant 32 : i32
    %scan3A_10 = arith.constant 0 : i32
    %scan3A_11 = arith.constant 8 : i32
    %scan3A_12 = arith.addi %scan3A_10, %scan3A_11 : i32
    %scan3A_13 = arith.constant 1 : i32
    scf.for %scan3A_15 = %scan3A_10 to %scan3A_12 step %scan3A_13  : i32 {
      %mul3A_16 = arith.constant 1 : i32
      %mul3A_17 = arith.muli %scan3A_15, %mul3A_16 : i32
      %add3A_18 = arith.constant 248 : i32
      %add3A_19 = arith.addi %add3A_18, %mul3A_17 : i32
      %get3A = arith.index_cast %add3A_19 : i32 to index
      %get3A_20 = arith.constant 0 : index
      %get3A_21 = tpu.vector_load %arg6[%get3A, %get3A_20] {strides = array<i32>} : memref<256x128xf32, #tpu.memory_space<vmem>>, vector<1x16xf32>,
      %get3A_22 = vector.shape_cast %get3A_21 : vector<1x16xf32> to vector<16xf32>
      %mul3A_23 = arith.constant 2.000000e+00 : f32
      %mul3A_24 = vector.broadcast %mul3A_23 : f32 to vector<16xf32>
      %mul3A_25 = arith.mulf %get3A_22, %mul3A_24 : vector<16xf32>
      %swap3A = arith.index_cast %add3A_19 : i32 to index
      %swap3A_26 = arith.constant 0 : index
      %swap3A_27 = tpu.vector_load %arg6[%swap3A, %swap3A_26] {strides = array<i32>} : memref<256x128xf32, #tpu.memory_space<vmem>>, vector<1x16xf32>,
      %swap3A_28 = vector.shape_cast %swap3A_27 : vector<1x16xf32> to vector<16xf32>
      %swap3A_29 = vector.shape_cast %mul3A_25 : vector<16xf32> to vector<1x16xf32>
      tpu.vector_store %arg6[%swap3A, %swap3A_26], %swap3A_29 {strides = array<i32>} : memref<256x128xf32, #tpu.memory_space<vmem>>, vector<1x16xf32>,
      %get3A_30 = arith.index_cast %add3A_19 : i32 to index
      %get3A_31 = arith.constant 16 : index
      %get3A_32 = tpu.vector_load %arg6[%get3A_30, %get3A_31] {strides = array<i32>} : memref<256x128xf32, #tpu.memory_space<vmem>>, vector<1x16xf32>,
      %get3A_33 = vector.shape_cast %get3A_32 : vector<1x16xf32> to vector<16xf32>
      %mul3A_34 = arith.constant 2.000000e+00 : f32
      %mul3A_35 = vector.broadcast %mul3A_34 : f32 to vector<16xf32>
      %mul3A_36 = arith.mulf %get3A_33, %mul3A_35 : vector<16xf32>
      %swap3A_37 = arith.index_cast %add3A_19 : i32 to index
      %swap3A_38 = arith.constant 16 : index
      %swap3A_39 = tpu.vector_load %arg6[%swap3A_37, %swap3A_38] {strides = array<i32>} : memref<256x128xf32, #tpu.memory_space<vmem>>, vector<1x16xf32>,
      %swap3A_40 = vector.shape_cast %swap3A_39 : vector<1x16xf32> to vector<16xf32>
      %swap3A_41 = vector.shape_cast %mul3A_36 : vector<16xf32> to vector<1x16xf32>
      tpu.vector_store %arg6[%swap3A_37, %swap3A_38], %swap3A_41 {strides = array<i32>} : memref<256x128xf32, #tpu.memory_space<vmem>>, vector<1x16xf32>,
      %get3A_42 = arith.index_cast %add3A_19 : i32 to index
      %get3A_43 = arith.constant 32 : index
      %get3A_44 = tpu.vector_load %arg6[%get3A_42, %get3A_43] {strides = array<i32>} : memref<256x128xf32, #tpu.memory_space<vmem>>, vector<1x16xf32>,
      %get3A_45 = vector.shape_cast %get3A_44 : vector<1x16xf32> to vector<16xf32>
      %mul3A_46 = arith.constant 2.000000e+00 : f32
      %mul3A_47 = vector.broadcast %mul3A_46 : f32 to vector<16xf32>
      %mul3A_48 = arith.mulf %get3A_45, %mul3A_47 : vector<16xf32>
      %swap3A_49 = arith.index_cast %add3A_19 : i32 to index
      %swap3A_50 = arith.constant 32 : index
      %swap3A_51 = tpu.vector_load %arg6[%swap3A_49, %swap3A_50] {strides = array<i32>} : memref<256x128xf32, #tpu.memory_space<vmem>>, vector<1x16xf32>,
      %swap3A_52 = vector.shape_cast %swap3A_51 : vector<1x16xf32> to vector<16xf32>
      %swap3A_53 = vector.shape_cast %mul3A_48 : vector<16xf32> to vector<1x16xf32>
      tpu.vector_store %arg6[%swap3A_49, %swap3A_50], %swap3A_53 {strides = array<i32>} : memref<256x128xf32, #tpu.memory_space<vmem>>, vector<1x16xf32>,
      %get3A_54 = arith.index_cast %add3A_19 : i32 to index
      %get3A_55 = arith.constant 48 : index
      %get3A_56 = tpu.vector_load %arg6[%get3A_54, %get3A_55] {strides = array<i32>} : memref<256x128xf32, #tpu.memory_space<vmem>>, vector<1x16xf32>,
      %get3A_57 = vector.shape_cast %get3A_56 : vector<1x16xf32> to vector<16xf32>
      %mul3A_58 = arith.constant 2.000000e+00 : f32
      %mul3A_59 = vector.broadcast %mul3A_58 : f32 to vector<16xf32>
      %mul3A_60 = arith.mulf %get3A_57, %mul3A_59 : vector<16xf32>
      %swap3A_61 = arith.index_cast %add3A_19 : i32 to index
      %swap3A_62 = arith.constant 48 : index
      %swap3A_63 = tpu.vector_load %arg6[%swap3A_61, %swap3A_62] {strides = array<i32>} : memref<256x128xf32, #tpu.memory_space<vmem>>, vector<1x16xf32>,
      %swap3A_64 = vector.shape_cast %swap3A_63 : vector<1x16xf32> to vector<16xf32>
      %swap3A_65 = vector.shape_cast %mul3A_60 : vector<16xf32> to vector<1x16xf32>
      tpu.vector_store %arg6[%swap3A_61, %swap3A_62], %swap3A_65 {strides = array<i32>} : memref<256x128xf32, #tpu.memory_space<vmem>>, vector<1x16xf32>,
      %get3A_66 = arith.index_cast %add3A_19 : i32 to index
      %get3A_67 = arith.constant 64 : index
      %get3A_68 = tpu.vector_load %arg6[%get3A_66, %get3A_67] {strides = array<i32>} : memref<256x128xf32, #tpu.memory_space<vmem>>, vector<1x16xf32>,
      %get3A_69 = vector.shape_cast %get3A_68 : vector<1x16xf32> to vector<16xf32>
      %mul3A_70 = arith.constant 2.000000e+00 : f32
      %mul3A_71 = vector.broadcast %mul3A_70 : f32 to vector<16xf32>
      %mul3A_72 = arith.mulf %get3A_69, %mul3A_71 : vector<16xf32>
      %swap3A_73 = arith.index_cast %add3A_19 : i32 to index
      %swap3A_74 = arith.constant 64 : index
      %swap3A_75 = tpu.vector_load %arg6[%swap3A_73, %swap3A_74] {strides = array<i32>} : memref<256x128xf32, #tpu.memory_space<vmem>>, vector<1x16xf32>,
      %swap3A_76 = vector.shape_cast %swap3A_75 : vector<1x16xf32> to vector<16xf32>
      %swap3A_77 = vector.shape_cast %mul3A_72 : vector<16xf32> to vector<1x16xf32>
      tpu.vector_store %arg6[%swap3A_73, %swap3A_74], %swap3A_77 {strides = array<i32>} : memref<256x128xf32, #tpu.memory_space<vmem>>, vector<1x16xf32>,
      %get3A_78 = arith.index_cast %add3A_19 : i32 to index
      %get3A_79 = arith.constant 80 : index
      %get3A_80 = tpu.vector_load %arg6[%get3A_78, %get3A_79] {strides = array<i32>} : memref<256x128xf32, #tpu.memory_space<vmem>>, vector<1x16xf32>,
      %get3A_81 = vector.shape_cast %get3A_80 : vector<1x16xf32> to vector<16xf32>
      %mul3A_82 = arith.constant 2.000000e+00 : f32
      %mul3A_83 = vector.broadcast %mul3A_82 : f32 to vector<16xf32>
      %mul3A_84 = arith.mulf %get3A_81, %mul3A_83 : vector<16xf32>
      %swap3A_85 = arith.index_cast %add3A_19 : i32 to index
      %swap3A_86 = arith.constant 80 : index
      %swap3A_87 = tpu.vector_load %arg6[%swap3A_85, %swap3A_86] {strides = array<i32>} : memref<256x128xf32, #tpu.memory_space<vmem>>, vector<1x16xf32>,
      %swap3A_88 = vector.shape_cast %swap3A_87 : vector<1x16xf32> to vector<16xf32>
      %swap3A_89 = vector.shape_cast %mul3A_84 : vector<16xf32> to vector<1x16xf32>
      tpu.vector_store %arg6[%swap3A_85, %swap3A_86], %swap3A_89 {strides = array<i32>} : memref<256x128xf32, #tpu.memory_space<vmem>>, vector<1x16xf32>,
      %get3A_90 = arith.index_cast %add3A_19 : i32 to index
      %get3A_91 = arith.constant 96 : index
      %get3A_92 = tpu.vector_load %arg6[%get3A_90, %get3A_91] {strides = array<i32>} : memref<256x128xf32, #tpu.memory_space<vmem>>, vector<1x16xf32>,
      %get3A_93 = vector.shape_cast %get3A_92 : vector<1x16xf32> to vector<16xf32>
      %mul3A_94 = arith.constant 2.000000e+00 : f32
      %mul3A_95 = vector.broadcast %mul3A_94 : f32 to vector<16xf32>
      %mul3A_96 = arith.mulf %get3A_93, %mul3A_95 : vector<16xf32>
      %swap3A_97 = arith.index_cast %add3A_19 : i32 to index
      %swap3A_98 = arith.constant 96 : index
      %swap3A_99 = tpu.vector_load %arg6[%swap3A_97, %swap3A_98] {strides = array<i32>} : memref<256x128xf32, #tpu.memory_space<vmem>>, vector<1x16xf32>,
      %swap3A_100 = vector.shape_cast %swap3A_99 : vector<1x16xf32> to vector<16xf32>
      %swap3A_101 = vector.shape_cast %mul3A_96 : vector<16xf32> to vector<1x16xf32>
      tpu.vector_store %arg6[%swap3A_97, %swap3A_98], %swap3A_101 {strides = array<i32>} : memref<256x128xf32, #tpu.memory_space<vmem>>, vector<1x16xf32>,
      %get3A_102 = arith.index_cast %add3A_19 : i32 to index
      %get3A_103 = arith.constant 112 : index
      %get3A_104 = tpu.vector_load %arg6[%get3A_102, %get3A_103] {strides = array<i32>} : memref<256x128xf32, #tpu.memory_space<vmem>>, vector<1x16xf32>,
      %get3A_105 = vector.shape_cast %get3A_104 : vector<1x16xf32> to vector<16xf32>
      %mul3A_106 = arith.constant 2.000000e+00 : f32
      %mul3A_107 = vector.broadcast %mul3A_106 : f32 to vector<16xf32>
      %mul3A_108 = arith.mulf %get3A_105, %mul3A_107 : vector<16xf32>
      %swap3A_109 = arith.index_cast %add3A_19 : i32 to index
      %swap3A_110 = arith.constant 112 : index
      %swap3A_111 = tpu.vector_load %arg6[%swap3A_109, %swap3A_110] {strides = array<i32>} : memref<256x128xf32, #tpu.memory_space<vmem>>, vector<1x16xf32>,
      %swap3A_112 = vector.shape_cast %swap3A_111 : vector<1x16xf32> to vector<16xf32>
      %swap3A_113 = vector.shape_cast %mul3A_108 : vector<16xf32> to vector<1x16xf32>
      tpu.vector_store %arg6[%swap3A_109, %swap3A_110], %swap3A_113 {strides = array<i32>} : memref<256x128xf32, #tpu.memory_space<vmem>>, vector<1x16xf32>,
    }
    %scan3A_14 = arith.constant 8 : i32
    "tpu.region"() ({
      %run_scoped3A = tpu.sem_alloc : memref<!tpu.dma_semaphore, #tpu.memory_space<semaphore_mem>>
      %dma_start3A = arith.constant 0 : i32
      %dma_start3A_15 = arith.constant 0 : i32
      %dma_start3A_16 = tpu.memref_slice %arg4[%add3A, %dma_start3A, %dma_start3A_15] : memref<32x256x128xf32, #tpu.memory_space<hbm>> -> memref<1x256x128xf32, #tpu.memory_space<hbm>>
      %dma_start3A_17 = tpu.memref_squeeze %dma_start3A_16 : memref<1x256x128xf32, #tpu.memory_space<hbm>> -> memref<256x128xf32, #tpu.memory_space<hbm>>
      %dma_start3A_18 = arith.constant 0 : i32
      %dma_start3A_19 = arith.constant 0 : i32
      %dma_start3A_20 = tpu.memref_slice %arg4[%add3A, %dma_start3A_18, %dma_start3A_19] : memref<32x256x128xf32, #tpu.memory_space<hbm>> -> memref<1x256x128xf32, #tpu.memory_space<hbm>>
      %dma_start3A_21 = tpu.memref_squeeze %dma_start3A_20 : memref<1x256x128xf32, #tpu.memory_space<hbm>> -> memref<256x128xf32, #tpu.memory_space<hbm>>
      tpu.enqueue_dma source(%arg6 : memref<256x128xf32, #tpu.memory_space<vmem>>) target(%dma_start3A_21 : memref<256x128xf32, #tpu.memory_space<hbm>>) target_semaphore(%run_scoped3A : memref<!tpu.dma_semaphore, #tpu.memory_space<semaphore_mem>>)
      %dma_wait3A = arith.constant 0 : i32
      %dma_wait3A_22 = arith.constant 0 : i32
      %dma_wait3A_23 = tpu.memref_slice %arg4[%add3A, %dma_wait3A, %dma_wait3A_22] : memref<32x256x128xf32, #tpu.memory_space<hbm>> -> memref<1x256x128xf32, #tpu.memory_space<hbm>>
      %dma_wait3A_24 = tpu.memref_squeeze %dma_wait3A_23 : memref<1x256x128xf32, #tpu.memory_space<hbm>> -> memref<256x128xf32, #tpu.memory_space<hbm>>
      %dma_wait3A_25 = arith.constant 0 : i32
      %dma_wait3A_26 = arith.constant 0 : i32
      %dma_wait3A_27 = tpu.memref_slice %arg4[%add3A, %dma_wait3A_25, %dma_wait3A_26] : memref<32x256x128xf32, #tpu.memory_space<hbm>> -> memref<1x256x128xf32, #tpu.memory_space<hbm>>
      %dma_wait3A_28 = tpu.memref_squeeze %dma_wait3A_27 : memref<1x256x128xf32, #tpu.memory_space<hbm>> -> memref<256x128xf32, #tpu.memory_space<hbm>>
      tpu.wait_dma2 semaphore(%run_scoped3A : memref<!tpu.dma_semaphore, #tpu.memory_space<semaphore_mem>>) src(%arg6 : memref<256x128xf32, #tpu.memory_space<vmem>>) dst(%dma_wait3A_28 : memref<256x128xf32, #tpu.memory_space<hbm>>)
      tpu.yield
    }) : () -> ()
    return
  }
}

</mosaic_0001>

<sc_bundles>
// kernel: _run.3.cloned.1.call-start
scs
__scs_entry_jumppad:
0x0: {  	(pc) =	sbr.rel $0x88, $3  }
0x1: {  	(tag) =	ssettag $0x0;
	lr =	simm.s32 $0x1  }
0x2: {  	[smem:$0x3F9F] =	sst lr;
	_ =	strace $0xD0000000  }
0x3: {  	_ = 	snop  }
0x4: {  	_ = 	snop  }
0x5: {  	_ = 	snop  }
0x6: {  	_ = 	snop  }
0x7: {  	_ = 	snop  }
__scs_overlays_trampoline_lowered:
0x8: {  	[smem:$0x3FAE] =	sst s0  }
0x9: {  	[smem:$0x3FAF] =	sst s1  }
0xa: {  	[smem:$0x3FB0] =	sst s2  }
0xb: {  	[smem:$0x3FB1] =	sst s3  }
0xc: {  	[smem:$0x3FB2] =	sst s4  }
0xd: {  	[smem:$0x3FB3] =	sst s5  }
0xe: {  	[smem:$0x3FB4] =	sst s6  }
0xf: {  	[smem:$0x3FB5] =	sst s7  }
0x10: {  	[smem:$0x3FB6] =	sst s8  }
0x11: {  	[smem:$0x3FB7] =	sst s9;
	s0 =	simm.s32 @!p0 $0x0  }
0x12: {  	s1 =	sld [smem:$0x3F9D];
	s0 =	simm.s32 @p0 $0x1  }
0x13: {  	[smem:$0x3FB8] =	sst s0;
	s0 =	simm.s32 @!p1 $0x0  }
0x14: {  	s2 =	sld [smem:$0x3F9C];
	s0 =	simm.s32 @p1 $0x1  }
0x15: {  	[smem:$0x3FB9] =	sst s0;
	s0 =	simm.s32 @!p2 $0x0  }
0x16: {  	s3 =	sld [smem:$0x3FDB];
	s0 =	simm.s32 @p2 $0x1  }
0x17: {  	s4 =	simm.s32 $0x1BF5;
	[smem:$0x3FBB] =	sst s0  }
0x18: {  	s0 =	sld [smem:$0x3F9E];
	_ =	swait.ge [sflag:s4], $0x0  }
0x19: {  	s7 =	sld [smem:$0x3F9F]  }
0x1a: {  	s8 =	sadd.s32 $0xFFFFE003, lr  }
0x1b: {  	s9 =	sadd.s32 $0xFFFFFEF7, lr;
	s5 =	simm.s32 $0xFFFFFFFF;
	p2 =	slt.u32 s8, $0xFFFFF086  }
0x1c: {  	p1 =	slt.u32 s9, $0xF7A;
	s5 =	simm.s32 @!p2 $0x0  }
0x1d: {  	s5 =	simm.s32 @p1 $0x1;
	p0 =	seq.s32 s7, s2  }
0x1e: {  	s7 =	smul.u32 @!p0 $0xF7A, s2;
	p2 =	seq.s32 @!p0 s5, $0x0  }
0x1f: {  	s9 =	smul.u32 $0xF7A, s1;
	s8 =	simm.s32 @!p0 $0x1BF5;
	p2 =	por !p2, p0  }
0x20: {  	[sflag:s8] =	ssyncset.s32 @!p0 $0xFFFFF086;
	s6 =	sadd.s32 @!p0 s3, s7;
	s7 =	simm.s32 @!p0 $0x108  }
0x21: {  	s3 =	sadd.s32 s3, s9;
	s6 =	sadd.s32 @!p0 $0x88, s6;
	s7 =	simm.s32 @p2 $0x1082  }
0x22: {  	[simem:s7], [sflag:s8] =	dma.local @!p0 [hbm:s6], $0xF7A  }
0x23: {  	s9 =	sor.u32 $0xD0000000, s2;
	s6 =	simm.s32 $0x108;
	_ =	swait.ge @!p0 [sflag:s8], $0x0  }
0x24: {  	s3 =	sadd.s32 $0x88, s3;
	s6 =	simm.s32 @!p1 $0x1082;
	[sflag:s4] =	ssyncset.s32 $0xFFFFF086  }
0x25: {  	[simem:s6], [sflag:s4] =	dma.local [hbm:s3], $0xF7A  }
0x26: {  	[smem:$0x3F9F] =	sst s1;
	(tag) =	ssettag s2;
	_ =	strace s9  }
0x27: {  	s1 =	sld [smem:$0x3FAF]  }
0x28: {  	s2 =	sld [smem:$0x3FB0]  }
0x29: {  	s4 =	sld [smem:$0x3FB2]  }
0x2a: {  	p0 =	seq.s32 s5, $0x0;
	s5 =	sld [smem:$0x3FB3]  }
0x2b: {  	s6 =	sld [smem:$0x3FB4]  }
0x2c: {  	s7 =	sld [smem:$0x3FB5]  }
0x2d: {  	s3 =	simm.s32 $0x108;
	s8 =	sld [smem:$0x3FB6]  }
0x2e: {  	s3 =	simm.s32 @!p0 $0x1082;
	s9 =	sld [smem:$0x3FB7]  }
0x2f: {  	lr =	sadd.s32 s0, s3;
	s0 =	sld [smem:$0x3FAE]  }
0x30: {  	s3 =	sld [smem:$0x3FB1]  }
0x31: {  	[smem:$0x3FBA] =	sst s10  }
0x32: {  	s10 =	sld [smem:$0x3FB8];
	_ =	sdelay $0x3  }
0x33: {  	p0 =	seq.s32 s10, $0x1;
	s10 =	sld [smem:$0x3FBA];
	_ =	sdelay $0x3  }
0x34: {  	[smem:$0x3FBA] =	sst s10  }
0x35: {  	s10 =	sld [smem:$0x3FB9];
	_ =	sdelay $0x3  }
0x36: {  	p1 =	seq.s32 s10, $0x1;
	s10 =	sld [smem:$0x3FBA];
	_ =	sdelay $0x3  }
0x37: {  	[smem:$0x3FBA] =	sst s10  }
0x38: {  	s10 =	sld [smem:$0x3FBB]  }
0x39: {  	_ = 	snop;
	(pc) =	sbr.ind lr, $3  }
0x3a: {  	_ = 	snop  }
0x3b: {  	_ = 	snop  }
0x3c: {  	p2 =	seq.s32 s10, $0x1;
	s10 =	sld [smem:$0x3FBA]  }
0x3d: {  	_ =	shalt  }
0x3e: {  	_ =	shalt  }
0x3f: {  	_ =	shalt  }
0x40: {  	_ =	shalt  }
0x41: {  	_ =	shalt  }
0x42: {  	_ =	shalt  }
0x43: {  	_ =	shalt  }
0x44: {  	_ =	shalt  }
0x45: {  	_ =	shalt  }
0x46: {  	_ =	shalt  }
0x47: {  	_ =	shalt  }
0x48: {  	_ =	shalt  }
0x49: {  	_ =	shalt  }
0x4a: {  	_ =	shalt  }
0x4b: {  	_ =	shalt  }
0x4c: {  	_ =	shalt  }
0x4d: {  	_ =	shalt  }
0x4e: {  	_ =	shalt  }
0x4f: {  	_ =	shalt  }
0x50: {  	_ =	shalt  }
0x51: {  	_ =	shalt  }
0x52: {  	_ =	shalt  }
0x53: {  	_ =	shalt  }
0x54: {  	_ =	shalt  }
0x55: {  	_ =	shalt  }
0x56: {  	_ =	shalt  }
0x57: {  	_ =	shalt  }
0x58: {  	_ =	shalt  }
0x59: {  	_ =	shalt  }
0x5a: {  	_ =	shalt  }
0x5b: {  	_ =	shalt  }
0x5c: {  	_ =	shalt  }
0x5d: {  	_ =	shalt  }
0x5e: {  	_ =	shalt  }
0x5f: {  	_ =	shalt  }
0x60: {  	_ =	shalt  }
0x61: {  	_ =	shalt  }
0x62: {  	_ =	shalt  }
0x63: {  	_ =	shalt  }
0x64: {  	_ =	shalt  }
0x65: {  	_ =	shalt  }
0x66: {  	_ =	shalt  }
0x67: {  	_ =	shalt  }
0x68: {  	_ =	shalt  }
0x69: {  	_ =	shalt  }
0x6a: {  	_ =	shalt  }
0x6b: {  	_ =	shalt  }
0x6c: {  	_ =	shalt  }
0x6d: {  	_ =	shalt  }
0x6e: {  	_ =	shalt  }
0x6f: {  	_ =	shalt  }
0x70: {  	_ =	shalt  }
0x71: {  	_ =	shalt  }
0x72: {  	_ =	shalt  }
0x73: {  	_ =	shalt  }
0x74: {  	_ =	shalt  }
0x75: {  	_ =	shalt  }
0x76: {  	_ =	shalt  }
0x77: {  	_ =	shalt  }
0x78: {  	_ =	shalt  }
0x79: {  	_ =	shalt  }
0x7a: {  	_ =	shalt  }
0x7b: {  	_ =	shalt  }
0x7c: {  	_ =	shalt  }
0x7d: {  	_ =	shalt  }
0x7e: {  	_ =	shalt  }
0x7f: {  	_ =	shalt  }
0x80: {  	_ =	shalt  }
0x81: {  	_ =	shalt  }
0x82: {  	_ =	shalt  }
0x83: {  	_ =	shalt  }
0x84: {  	_ =	shalt  }
0x85: {  	_ =	shalt  }
0x86: {  	_ =	shalt  }
0x87: {  	_ =	shalt  }
.Lfunc_end0:
.L_simem_size_0:
called_computation_lowered:
.L_overlay_start_0:
0x88: {  	s2 =	sld [smem:$0x3FD9]  }
0x89: {  	s3 =	sld [smem:$0x3FFE];
	_ =	sdelay $0x1  }
0x8a: {  	s1 =	srdreg.scid  }
0x8b: {  	s0 =	sand.u32 $0x1, s1  }
0x8c: {  	s18 =	sshll.u32 s0, $0xA;
	s2 =	sadd.s32 s3, s2  }
0x8d: {  	s2 =	sadd.s32 s2, s18  }
0x8e: {  	[smem:$0x3FC6] =	sst s2  }
0x8f: {  	_ = 	snop  }
0x90: {  	s2 =	sld [smem:$0x3FC9]  }
0x91: {  	s19 =	sld [smem:$0x3FC8]  }
0x92: {  	s4 =	sld [smem:$0x3FD0];
	(tm) =	ssettm $0x1  }
0x93: {  	s5 =	sld [smem:$0x3FFB];
	_ =	sdelay $0x3  }
0x94: {  	_ =	strace s5  }
0x95: {  	s5 =	sld [smem:$0x3FFC];
	_ =	sdelay $0x3  }
0x96: {  	_ =	strace s5  }
0x97: {  	s5 =	sld [smem:$0x3FFD];
	_ =	sdelay $0x3  }
0x98: {  	_ =	strace s5  }
0x99: {  	_ =	strace $0x8FFFFFFF  }
0x9a: {  	s20 =	sld [smem:$0x3FDB];
	_ =	sdelay $0x1  }
0x9b: {  	s6 =	simm.s32 $_scs_section_size  }
0x9c: {  	s7 =	simm.s32 $_size__tile_overlayer_lowered;
	s8 =	simm.s32 $_tile_overlayer_lowered  }
0x9d: {  	s23 =	simm.s32 $0x1BFF;
	s22 =	sshll.u32 s8, $0x1;
	s5 =	sadd.s32 s6, s20  }
0x9e: {  	s9 =	simm.s32 $0x0;
	s21 =	sshll.u32 s7, $0x1;
	s7 =	sadd.s32 s22, s5  }
0x9f: {  	[timem:s9], [sflag:s23] =	dma.local [hbm:s7], s21  }
0xa0: {  	_ =	swait.ge [sflag:s23], s21  }
0xa1: {  	s6 =	ssub.s32 $0x0, s21;
	[sflag:s23] =	ssyncset.done $0x0  }
0xa2: {  	[sflag:s23] =	ssyncadd.s32 s6;
	_ =	sdelay $0x1  }
0xa3: {  	s24 =	simm.s32 $0x1B8B  }
0xa4: {  	_ =	swait.ge [sflag:s24], $0x1  }
0xa5: {  	[sflag:s24] =	ssyncset.done $0x0  }
0xa6: {  	s25 =	simm.s32 $0x1B8E;
	[sflag:s24] =	ssyncadd.s32 $0xFFFFFFFF  }
0xa7: {  	s26 =	simm.s32 $execute0_lowered;
	[smem:$0x3FD2] =	sst s25  }
0xa8: {  	s6 =	sshll.u32 s26, $0x1;
	_ =	strace $0x80000046;
	[dreg:$0x1] =	wrdreg $0xFFFFFFFF  }
0xa9: {  	s28 =	simm.s32 $_size_execute0_lowered;
	s5 =	sadd.s32 s5, s6;
	[dreg:$0x0] =	wrdreg $0x0  }
0xaa: {  	s6 =	sshll.u32 s28, $0x1;
	[dreg:$0x2] =	wrdreg s5  }
0xab: {  	[dreg:$0x3] =	wrdreg s6  }
0xac: {  	[dreg:$0x4] =	wrdreg $0xC0  }
0xad: {  	_ =	task [dreg:s9], $0x5FFFF  }
0xae: {  	[dreg:$0x1] =	wrdreg $0xFFFFFFFF  }
0xaf: {  	[dreg:$0x0] =	wrdreg $0x60  }
0xb0: {  	[dreg:$0x2] =	wrdreg s2  }
0xb1: {  	[dreg:$0x3] =	wrdreg s19  }
0xb2: {  	[dreg:$0x4] =	wrdreg s4  }
0xb3: {  	[dreg:$0x5] =	wrdreg $0x9  }
0xb4: {  	_ =	task.clear_ibuf [dreg:s9], $0x6FFFF;
	_ =	strace $0x90000046  }
0xb5: {  	s29 =	simm.s32 $0x9;
	_ =	strace $0x80000048  }
0xb6: {  	_ =	swait.ge [sflag:s29], $0x1  }
0xb7: {  	[sflag:s29] =	ssyncadd.s32 $0xFFFFFFFF  }
0xb8: {  	_ =	strace $0x90000048  }
0xb9: {  	_ =	sfence  }
0xba: {  	s30 =	sld [smem:$0x0];
	_ =	sdelay $0x2  }
0xbb: {  	s31 =	sshll.u32 s1, $0xD;
	s1 =	sshrl.u32 s1, $0x2  }
0xbc: {  	s3 =	sand.u32 $0x4000, s31;
	s1 =	sadd.s32 s1, s30  }
0xbd: {  	s0 =	sor.u32 s3, s0;
	s1 =	sshll.u32 s1, $0x11  }
0xbe: {  	s0 =	sor.u32 s1, s0  }
0xbf: {  	s0 =	sadd.s32 $0x8F2B, s0  }
0xc0: {  	[sflag:s0] =	ssyncadd.remote.s32 $0x1  }
0xc1: {  	_ =	sfence.sel $0xFFFF  }
0xc2: {  	[dreg:$0x0] =	wrdreg $0xFFFFFFFF;
	(pc) =	sbr.abs _section_cstart, $3  }
0xc3: {  	[dreg:$0x1] =	wrdreg $0xFFFFFFFF  }
0xc4: {  	_ =	task.clear_ibuf [dreg:s9], $0x2FFFF;
	_ =	strace $0x9FFFFFFF  }
0xc5: {  	(tm) =	ssettm $0x7FFFFFFF  }
tec
execute0_lowered:
.L_overlay_start_1:
0x0: {  	(tag) =	ssettag $0x1  }
0x1: {  	s1 =	rddreg [dreg:$0x0]  }
0x2: {  	s4 =	rddreg [dreg:$0x1]  }
0x3: {  	s5 =	rddreg [dreg:$0x2]  }
0x4: {  	s0 =	rddreg [dreg:$0x3];
	s3 =	simm.s32 $0x0;
	s6 =	srdreg.scid  }
0x5: {  	s2 =	stileid.u32;
	s10 =	simm.s32 $0x8000;
	s11 =	simm.s32 $0x0  }
0x6: {  	[smem:$0x7FF] =	sst s3;
	s6 =	sand.u32 $0x1, s6;
	s8 =	sshll.u32 s2, $0xD  }
0x7: {  	s7 =	ssub.s32 $0x2, s6;
	s6 =	sshll.u32 s6, $0xC;
	_ =	strace $0x80000047  }
0x8: {  	s9 =	sshrl.u32 s7, $0x1;
	s6 =	sor.u32 s6, s8;
	s8 =	simm.s32 $0x80  }
0x9: {  	v0 =	vlaneseq.u32;
	s7 =	ssub.s32 s7, s9;
	s4 =	sadd.s32 s4, s6;
	s5 =	sadd.s32 s5, s6  }
0xa: {  	v1 =	vor.u32 $0x10, v0;
	v2 =	vor.u32 $0x20, v0;
	v3 =	vor.u32 $0x30, v0;
	s9 =	simm.s32 $0x1;
	s6 =	smax.u32 s7, $0x1;
	s7 =	simm.s32 $0x2  }
.LBB2_1:
0xb: {  	[tilespmem:s3], [sflag:$0x2] =	stream.linear.gather [hbm4b:s4+s3], $0x8000, $0x38;
	[tilespmem:$0x10000] =	vst v63  }
0xc: {  	_ =	swait.ge [sflag:s7], $0x8000  }
0xd: {  	[sflag:s7] =	ssyncset.done $0x0  }
0xe: {  	s12 =	simm.s32 $0x0;
	[sflag:s7] =	ssyncadd.s32 $0xFFFF8000  }
0xf: {  	v5 =	vld [tilespmem:s12+$0x0]  }
0x10: {  	v6 =	vld [tilespmem:s12+$0x10]  }
0x11: {  	v8 =	vld [tilespmem:s12+$0x20]  }
0x12: {  	v7 =	vld [tilespmem:s12+$0x30]  }
0x13: {  	v4 =	vld [tilespmem:s12+$0x40]  }
0x14: {  	v9 =	vshll.u32 v5, $0x7;
	v5 =	vld [tilespmem:s12+$0x50]  }
0x15: {  	s13 =	simm.s32 $0x200;
	v10 =	vshll.u32 v6, $0x7;
	v6 =	vld [tilespmem:s12+$0x60];
	v9 =	vor.u32 v0, v9  }
.LBB2_2:
0x16: {  	s14 =	sshra.s32 s13, $0x2;
	p0 =	sne.s32 s13, $0xE00;
	[tilespmem:s12+$0x0] =	vst v9;
	v9 =	vor.u32 v1, v10;
	v8 =	vshll.u32 v8, $0x7;
	v10 =	vld [tilespmem:s12+$0x70]  }
0x17: {  	v11 =	vld [tilespmem:s14+$0x0];
	[tilespmem:s12+$0x10] =	vst v9;
	v8 =	vor.u32 v2, v8;
	v7 =	vshll.u32 v7, $0x7  }
0x18: {  	v12 =	vld [tilespmem:s14+$0x10];
	[tilespmem:s12+$0x20] =	vst v8;
	v7 =	vor.u32 v3, v7;
	v4 =	vshll.u32 v4, $0x7  }
.Ltmp0:
0x19: {  	v8 =	vld [tilespmem:s14+$0x20];
	[tilespmem:s12+$0x30] =	vst v7;
	v4 =	vor.u32 v0, v4;
	v5 =	vshll.u32 v5, $0x7;
	(pc) =	sbr.rel @p0 .LBB2_2-.Ltmp0, $4  }
0x1a: {  	v7 =	vld [tilespmem:s14+$0x30];
	[tilespmem:s12+$0x40] =	vst v4;
	v5 =	vor.u32 v1, v5;
	v6 =	vshll.u32 v6, $0x7  }
0x1b: {  	v4 =	vld [tilespmem:s14+$0x40];
	[tilespmem:s12+$0x50] =	vst v5;
	v6 =	vor.u32 v2, v6;
	v9 =	vshll.u32 v10, $0x7  }
0x1c: {  	v10 =	vshll.u32 v11, $0x7;
	v5 =	vld [tilespmem:s14+$0x50];
	[tilespmem:s12+$0x60] =	vst v6;
	v11 =	vor.u32 v3, v9  }
0x1d: {  	s13 =	sadd.s32 $0x200, s13;
	v9 =	vor.u32 v0, v10;
	v10 =	vshll.u32 v12, $0x7;
	v6 =	vld [tilespmem:s14+$0x60];
	[tilespmem:s12+$0x70] =	vst v11;
	s12 =	smov.u32 s14  }
0x1e: {  	[tilespmem:s12+$0x0] =	vst v9;
	v62 =	vor.u32 v1, v10;
	v8 =	vshll.u32 v8, $0x7;
	v63 =	vld [tilespmem:s12+$0x70]  }
0x1f: {  	[tilespmem:s12+$0x10] =	vst v62;
	v8 =	vor.u32 v2, v8;
	v7 =	vshll.u32 v7, $0x7  }
0x20: {  	[tilespmem:s12+$0x20] =	vst v8;
	v7 =	vor.u32 v3, v7;
	v4 =	vshll.u32 v4, $0x7  }
.Ltmp1:
0x21: {  	[tilespmem:s12+$0x30] =	vst v7;
	v4 =	vor.u32 v0, v4;
	v5 =	vshll.u32 v5, $0x7;
	(pc) =	sbr.rel .LBB2_4-.Ltmp1, $4  }
0x22: {  	[tilespmem:s12+$0x40] =	vst v4;
	v4 =	vor.u32 v1, v5;
	v5 =	vshll.u32 v6, $0x7  }
0x23: {  	[tilespmem:s12+$0x50] =	vst v4;
	v4 =	vor.u32 v2, v5;
	v5 =	vshll.u32 v63, $0x7  }
0x24: {  	[tilespmem:s12+$0x60] =	vst v4;
	v4 =	vor.u32 v3, v5  }
0x25: {  	s13 =	simm.s32 $0x400;
	s14 =	simm.s32 $0x8000;
	[tilespmem:s12+$0x70] =	vst v4;
	s12 =	simm.s32 $0x0  }
.LBB2_11:
0x26: {  	_ =	swait.ge [sflag:s9], $0x80  }
0x27: {  	[sflag:s9] =	ssyncset.done $0x0  }
0x28: {  	[sflag:s9] =	ssyncadd.s32 $0xFFFFFF80  }
0x29: {  	_ =	swait.ge [sflag:s9], $0x80  }
0x2a: {  	[sflag:s9] =	ssyncset.done $0x0  }
0x2b: {  	[sflag:s9] =	ssyncadd.s32 $0xFFFFFF80  }
0x2c: {  	_ =	swait.ge [sflag:s9], $0x80  }
0x2d: {  	[sflag:s9] =	ssyncset.done $0x0  }
0x2e: {  	[sflag:s9] =	ssyncadd.s32 $0xFFFFFF80  }
0x2f: {  	_ =	swait.ge [sflag:s9], $0x80  }
0x30: {  	[sflag:s9] =	ssyncset.done $0x0  }
0x31: {  	[sflag:s9] =	ssyncadd.s32 $0xFFFFFF80  }
0x32: {  	_ =	swait.ge [sflag:s9], $0x80  }
0x33: {  	[sflag:s9] =	ssyncset.done $0x0  }
0x34: {  	[sflag:s9] =	ssyncadd.s32 $0xFFFFFF80  }
0x35: {  	_ =	swait.ge [sflag:s9], $0x80  }
0x36: {  	[sflag:s9] =	ssyncset.done $0x0  }
0x37: {  	s12 =	sadd.s32 $0x1, s12;
	[sflag:s9] =	ssyncadd.s32 $0xFFFFFF80  }
0x38: {  	p0 =	sne.s32 s12, $0x20;
	_ =	swait.ge [sflag:s9], $0x80  }
.Ltmp2:
0x39: {  	[sflag:s9] =	ssyncset.done $0x0;
	(pc) =	sbr.rel @!p0 .LBB2_12-.Ltmp2, $4  }
0x3a: {  	[sflag:s9] =	ssyncadd.s32 $0xFFFFFF80  }
0x3b: {  	_ =	swait.ge [sflag:s9], $0x80  }
0x3c: {  	[sflag:s9] =	ssyncset.done $0x0  }
0x3d: {  	s13 =	sadd.s32 $0x400, s13;
	s14 =	sadd.s32 $0x400, s14;
	[sflag:s9] =	ssyncadd.s32 $0xFFFFFF80  }
.LBB2_4:
0x3e: {  	s15 =	sshll.u32 s12, $0xA  }
0x3f: {  	s16 =	sadd.s32 $0x8000, s15  }
0x40: {  	[tilespmem:s16], [sflag:$0x1] =	stream.indirect.gather [hbm4b:s1+s8], $0x1, s15, s8, $0xb8;
	[tilespmem:$0x10000] =	vst v63  }
0x41: {  	s19 =	sor.u32 $0x80, s15;
	s17 =	sadd.s32 $0x8080, s15  }
0x42: {  	[tilespmem:s17], [sflag:$0x1] =	stream.indirect.gather [hbm4b:s1+s8], $0x1, s19, s8, $0xb8;
	[tilespmem:$0x10000] =	vst v63  }
0x43: {  	s20 =	sor.u32 $0x100, s15;
	s21 =	sadd.s32 $0x8100, s15  }
0x44: {  	[tilespmem:s21], [sflag:$0x1] =	stream.indirect.gather [hbm4b:s1+s8], $0x1, s20, s8, $0xb8;
	[tilespmem:$0x10000] =	vst v63  }
0x45: {  	s22 =	sor.u32 $0x180, s15;
	s23 =	sadd.s32 $0x8180, s15  }
0x46: {  	[tilespmem:s23], [sflag:$0x1] =	stream.indirect.gather [hbm4b:s1+s8], $0x1, s22, s8, $0xb8;
	[tilespmem:$0x10000] =	vst v63  }
0x47: {  	s24 =	sor.u32 $0x200, s15;
	s25 =	sadd.s32 $0x8200, s15  }
0x48: {  	[tilespmem:s25], [sflag:$0x1] =	stream.indirect.gather [hbm4b:s1+s8], $0x1, s24, s8, $0xb8;
	[tilespmem:$0x10000] =	vst v63  }
0x49: {  	p0 =	seq.s32 s12, $0x1F;
	s26 =	sor.u32 $0x280, s15;
	s28 =	sadd.s32 $0x8280, s15  }
0x4a: {  	[tilespmem:s28], [sflag:$0x1] =	stream.indirect.gather [hbm4b:s1+s8], $0x1, s26, s8, $0xb8;
	[tilespmem:$0x10000] =	vst v63  }
.Ltmp3:
0x4b: {  	_ = 	snop;
	(pc) =	sbr.rel @p0 .LBB2_8-.Ltmp3, $4  }
0x4c: {  	s29 =	sor.u32 $0x300, s15;
	s30 =	sadd.s32 $0x8300, s15  }
0x4d: {  	[tilespmem:s30], [sflag:$0x1] =	stream.indirect.gather [hbm4b:s1+s8], $0x1, s29, s8, $0xb8;
	[tilespmem:$0x10000] =	vst v63  }
0x4e: {  	s31 =	sor.u32 $0x380, s15;
	s15 =	sadd.s32 $0x8380, s15  }
0x4f: {  	[tilespmem:s15], [sflag:$0x1] =	stream.indirect.gather [hbm4b:s1+s8], $0x1, s31, s8, $0xb8;
	[tilespmem:$0x10000] =	vst v63  }
0x50: {  	s16 =	sadd.s32 $0x0, s13  }
0x51: {  	v4 =	vld [tilespmem:s16+$0x0];
	_ =	sdelay $0x1  }
0x52: {  	v5 =	vld [tilespmem:s16+$0x10]  }
0x53: {  	v6 =	vld [tilespmem:s16+$0x20]  }
0x54: {  	v8 =	vld [tilespmem:s16+$0x30]  }
0x55: {  	v11 =	vld [tilespmem:s16+$0x40];
	v4 =	vshll.u32 v4, $0x7  }
0x56: {  	v9 =	vld [tilespmem:s16+$0x50];
	v4 =	vor.u32 v0, v4  }
0x57: {  	v10 =	vld [tilespmem:s16+$0x60];
	[tilespmem:s16+$0x0] =	vst v4;
	v4 =	vshll.u32 v5, $0x7  }
0x58: {  	s15 =	sadd.s32 $0x80, s13;
	v12 =	vld [tilespmem:s16+$0x70];
	v5 =	vshll.u32 v6, $0x7;
	v4 =	vor.u32 v1, v4  }
0x59: {  	v13 =	vld [tilespmem:s15+$0x0];
	[tilespmem:s16+$0x10] =	vst v4;
	v4 =	vor.u32 v2, v5;
	v5 =	vshll.u32 v8, $0x7  }
0x5a: {  	v6 =	vshll.u32 v11, $0x7;
	v7 =	vld [tilespmem:s15+$0x10];
	[tilespmem:s16+$0x20] =	vst v4;
	v4 =	vor.u32 v3, v5  }
0x5b: {  	v6 =	vor.u32 v0, v6;
	v8 =	vshll.u32 v9, $0x7;
	v5 =	vld [tilespmem:s15+$0x20];
	[tilespmem:s16+$0x30] =	vst v4  }
0x5c: {  	v9 =	vshll.u32 v10, $0x7;
	v8 =	vor.u32 v1, v8;
	v4 =	vld [tilespmem:s15+$0x30];
	[tilespmem:s16+$0x40] =	vst v6  }
0x5d: {  	v11 =	vshll.u32 v12, $0x7;
	v10 =	vor.u32 v2, v9;
	v6 =	vld [tilespmem:s15+$0x40];
	[tilespmem:s16+$0x50] =	vst v8  }
0x5e: {  	s17 =	simm.s32 $0x400;
	v9 =	vshll.u32 v13, $0x7;
	v8 =	vld [tilespmem:s15+$0x50];
	[tilespmem:s16+$0x60] =	vst v10;
	v10 =	vor.u32 v3, v11  }
.LBB2_6:
0x5f: {  	s18 =	sshra.s32 s17, $0x2;
	p0 =	sne.s32 s17, $0xE00;
	v9 =	vor.u32 v0, v9;
	v7 =	vshll.u32 v7, $0x7;
	v11 =	vld [tilespmem:s15+$0x60];
	[tilespmem:s16+$0x70] =	vst v10;
	s16 =	smov.u32 s15  }
0x60: {  	s15 =	sadd.s32 s18, s13;
	[tilespmem:s16+$0x0] =	vst v9;
	v7 =	vor.u32 v1, v7;
	v5 =	vshll.u32 v5, $0x7;
	v9 =	vld [tilespmem:s16+$0x70]  }
0x61: {  	v10 =	vld [tilespmem:s15+$0x0];
	[tilespmem:s16+$0x10] =	vst v7;
	v5 =	vor.u32 v2, v5;
	v4 =	vshll.u32 v4, $0x7  }
.Ltmp4:
0x62: {  	v7 =	vld [tilespmem:s15+$0x10];
	[tilespmem:s16+$0x20] =	vst v5;
	v4 =	vor.u32 v3, v4;
	v6 =	vshll.u32 v6, $0x7;
	(pc) =	sbr.rel @p0 .LBB2_6-.Ltmp4, $4  }
0x63: {  	v5 =	vld [tilespmem:s15+$0x20];
	[tilespmem:s16+$0x30] =	vst v4;
	v6 =	vor.u32 v0, v6;
	v8 =	vshll.u32 v8, $0x7  }
0x64: {  	v4 =	vld [tilespmem:s15+$0x30];
	[tilespmem:s16+$0x40] =	vst v6;
	v8 =	vor.u32 v1, v8;
	v11 =	vshll.u32 v11, $0x7  }
0x65: {  	v6 =	vld [tilespmem:s15+$0x40];
	[tilespmem:s16+$0x50] =	vst v8;
	v11 =	vor.u32 v2, v11;
	v12 =	vshll.u32 v9, $0x7  }
0x66: {  	s17 =	sadd.s32 $0x200, s17;
	v9 =	vshll.u32 v10, $0x7;
	v8 =	vld [tilespmem:s15+$0x50];
	[tilespmem:s16+$0x60] =	vst v11;
	v10 =	vor.u32 v3, v12  }
0x67: {  	v11 =	vld [tilespmem:s15+$0x60];
	v9 =	vor.u32 v0, v9;
	[tilespmem:s16+$0x70] =	vst v10;
	v7 =	vshll.u32 v7, $0x7  }
0x68: {  	[tilespmem:s15+$0x0] =	vst v9;
	v7 =	vor.u32 v1, v7;
	v5 =	vshll.u32 v5, $0x7;
	v63 =	vld [tilespmem:s15+$0x70]  }
0x69: {  	[tilespmem:s15+$0x10] =	vst v7;
	v5 =	vor.u32 v2, v5;
	v4 =	vshll.u32 v4, $0x7  }
0x6a: {  	p0 =	seq.s32 s12, $0x0;
	[tilespmem:s15+$0x20] =	vst v5;
	v4 =	vor.u32 v3, v4;
	v5 =	vshll.u32 v6, $0x7  }
.Ltmp5:
0x6b: {  	[tilespmem:s15+$0x30] =	vst v4;
	v4 =	vor.u32 v0, v5;
	v5 =	vshll.u32 v8, $0x7;
	(pc) =	sbr.rel @p0 .LBB2_11-.Ltmp5, $4  }
0x6c: {  	[tilespmem:s15+$0x40] =	vst v4;
	v4 =	vor.u32 v1, v5;
	v5 =	vshll.u32 v11, $0x7  }
0x6d: {  	[tilespmem:s15+$0x50] =	vst v4;
	v4 =	vor.u32 v2, v5;
	v5 =	vshll.u32 v63, $0x7  }
0x6e: {  	[tilespmem:s15+$0x60] =	vst v4;
	v4 =	vor.u32 v3, v5  }
0x6f: {  	[tilespmem:s15+$0x70] =	vst v4  }
.LBB2_8:
0x70: {  	v4 =	vmov s14;
	_ =	sdelay $0x3  }
0x71: {  	s15 =	simm.s32 $0xFFFFFC00  }
0x72: {  	v5 =	vld.idx.msk [tilespmem:v4+s15+$0x0 ss:$0x1], $0xffff;
	_ =	sdelay $0x4  }
0x73: {  	v5 =	vadd.f32 v5, v5;
	_ =	sdelay $0x1  }
0x74: {  	[tilespmem:v4+s15+$0x0 ss:$0x1] =	vst.idx.msk $0xffff, v5  }
0x75: {  	v5 =	vld.idx.msk [tilespmem:v4+s15+$0x10 ss:$0x1], $0xffff;
	_ =	sdelay $0x4  }
0x76: {  	v5 =	vadd.f32 v5, v5;
	_ =	sdelay $0x1  }
0x77: {  	[tilespmem:v4+s15+$0x10 ss:$0x1] =	vst.idx.msk $0xffff, v5  }
0x78: {  	v5 =	vld.idx.msk [tilespmem:v4+s15+$0x20 ss:$0x1], $0xffff;
	_ =	sdelay $0x4  }
0x79: {  	v5 =	vadd.f32 v5, v5;
	_ =	sdelay $0x1  }
0x7a: {  	[tilespmem:v4+s15+$0x20 ss:$0x1] =	vst.idx.msk $0xffff, v5  }
0x7b: {  	v5 =	vld.idx.msk [tilespmem:v4+s15+$0x30 ss:$0x1], $0xffff;
	_ =	sdelay $0x4  }
0x7c: {  	v5 =	vadd.f32 v5, v5;
	_ =	sdelay $0x1  }
0x7d: {  	[tilespmem:v4+s15+$0x30 ss:$0x1] =	vst.idx.msk $0xffff, v5  }
0x7e: {  	v5 =	vld.idx.msk [tilespmem:v4+s15+$0x40 ss:$0x1], $0xffff;
	_ =	sdelay $0x4  }
0x7f: {  	v5 =	vadd.f32 v5, v5;
	_ =	sdelay $0x1  }
0x80: {  	[tilespmem:v4+s15+$0x40 ss:$0x1] =	vst.idx.msk $0xffff, v5  }
0x81: {  	v5 =	vld.idx.msk [tilespmem:v4+s15+$0x50 ss:$0x1], $0xffff;
	_ =	sdelay $0x4  }
0x82: {  	v5 =	vadd.f32 v5, v5;
	_ =	sdelay $0x1  }
0x83: {  	[tilespmem:v4+s15+$0x50 ss:$0x1] =	vst.idx.msk $0xffff, v5  }
0x84: {  	v5 =	vld.idx.msk [tilespmem:v4+s15+$0x60 ss:$0x1], $0xffff;
	_ =	sdelay $0x4  }
0x85: {  	v5 =	vadd.f32 v5, v5;
	_ =	sdelay $0x1  }
0x86: {  	[tilespmem:v4+s15+$0x60 ss:$0x1] =	vst.idx.msk $0xffff, v5  }
0x87: {  	v5 =	vld.idx.msk [tilespmem:v4+s15+$0x70 ss:$0x1], $0xffff;
	_ =	sdelay $0x4  }
0x88: {  	s16 =	simm.s32 $0xFFFFF200;
	s17 =	simm.s32 $0xFFFFF400;
	v5 =	vadd.f32 v5, v5  }
.LBB2_9:
0x89: {  	p0 =	sne.s32 s17, $0xFFFFFE00  }
0x8a: {  	[tilespmem:v4+s15+$0x70 ss:$0x1] =	vst.idx.msk $0xffff, v5;
	s15 =	sshra.s32 s16, $0x2;
	s16 =	smov.u32 s17;
	s17 =	sadd.s32 $0x200, s17  }
0x8b: {  	v5 =	vld.idx.msk [tilespmem:v4+s15+$0x0 ss:$0x1], $0xffff;
	_ =	sdelay $0x5  }
0x8c: {  	v5 =	vadd.f32 v5, v5;
	_ =	sdelay $0x1  }
0x8d: {  	[tilespmem:v4+s15+$0x0 ss:$0x1] =	vst.idx.msk $0xffff, v5  }
0x8e: {  	v5 =	vld.idx.msk [tilespmem:v4+s15+$0x10 ss:$0x1], $0xffff;
	_ =	sdelay $0x5  }
0x8f: {  	v5 =	vadd.f32 v5, v5;
	_ =	sdelay $0x1  }
0x90: {  	[tilespmem:v4+s15+$0x10 ss:$0x1] =	vst.idx.msk $0xffff, v5  }
0x91: {  	v5 =	vld.idx.msk [tilespmem:v4+s15+$0x20 ss:$0x1], $0xffff;
	_ =	sdelay $0x5  }
0x92: {  	v5 =	vadd.f32 v5, v5;
	_ =	sdelay $0x1  }
0x93: {  	[tilespmem:v4+s15+$0x20 ss:$0x1] =	vst.idx.msk $0xffff, v5  }
0x94: {  	v5 =	vld.idx.msk [tilespmem:v4+s15+$0x30 ss:$0x1], $0xffff;
	_ =	sdelay $0x5  }
0x95: {  	v5 =	vadd.f32 v5, v5;
	_ =	sdelay $0x1  }
0x96: {  	[tilespmem:v4+s15+$0x30 ss:$0x1] =	vst.idx.msk $0xffff, v5  }
0x97: {  	v5 =	vld.idx.msk [tilespmem:v4+s15+$0x40 ss:$0x1], $0xffff;
	_ =	sdelay $0x5  }
0x98: {  	v5 =	vadd.f32 v5, v5;
	_ =	sdelay $0x1  }
0x99: {  	[tilespmem:v4+s15+$0x40 ss:$0x1] =	vst.idx.msk $0xffff, v5  }
0x9a: {  	v5 =	vld.idx.msk [tilespmem:v4+s15+$0x50 ss:$0x1], $0xffff;
	_ =	sdelay $0x5  }
0x9b: {  	v5 =	vadd.f32 v5, v5;
	_ =	sdelay $0x1  }
0x9c: {  	[tilespmem:v4+s15+$0x50 ss:$0x1] =	vst.idx.msk $0xffff, v5  }
0x9d: {  	v5 =	vld.idx.msk [tilespmem:v4+s15+$0x60 ss:$0x1], $0xffff;
	_ =	sdelay $0x5  }
0x9e: {  	v5 =	vadd.f32 v5, v5;
	_ =	sdelay $0x1  }
0x9f: {  	[tilespmem:v4+s15+$0x60 ss:$0x1] =	vst.idx.msk $0xffff, v5  }
0xa0: {  	v5 =	vld.idx.msk [tilespmem:v4+s15+$0x70 ss:$0x1], $0xffff;
	_ =	sdelay $0x1  }
.Ltmp6:
0xa1: {  	(pc) =	sbr.rel @p0 .LBB2_9-.Ltmp6, $2  }
0xa2: {  	_ =	sdelay $0x2  }
0xa3: {  	v5 =	vadd.f32 v5, v5  }
0xa4: {  	_ =	sdelay $0x3  }
0xa5: {  	s16 =	sshra.s32 s16, $0x2;
	[tilespmem:v4+s15+$0x70 ss:$0x1] =	vst.idx.msk $0xffff, v5  }
0xa6: {  	v5 =	vld.idx.msk [tilespmem:v4+s16+$0x0 ss:$0x1], $0xffff;
	_ =	sdelay $0x4  }
0xa7: {  	v5 =	vadd.f32 v5, v5;
	_ =	sdelay $0x1  }
0xa8: {  	[tilespmem:v4+s16+$0x0 ss:$0x1] =	vst.idx.msk $0xffff, v5  }
0xa9: {  	v5 =	vld.idx.msk [tilespmem:v4+s16+$0x10 ss:$0x1], $0xffff;
	_ =	sdelay $0x4  }
0xaa: {  	v5 =	vadd.f32 v5, v5;
	_ =	sdelay $0x1  }
0xab: {  	[tilespmem:v4+s16+$0x10 ss:$0x1] =	vst.idx.msk $0xffff, v5  }
0xac: {  	v5 =	vld.idx.msk [tilespmem:v4+s16+$0x20 ss:$0x1], $0xffff;
	_ =	sdelay $0x4  }
0xad: {  	v5 =	vadd.f32 v5, v5;
	_ =	sdelay $0x1  }
0xae: {  	[tilespmem:v4+s16+$0x20 ss:$0x1] =	vst.idx.msk $0xffff, v5  }
0xaf: {  	v5 =	vld.idx.msk [tilespmem:v4+s16+$0x30 ss:$0x1], $0xffff;
	_ =	sdelay $0x4  }
0xb0: {  	v5 =	vadd.f32 v5, v5;
	_ =	sdelay $0x1  }
0xb1: {  	[tilespmem:v4+s16+$0x30 ss:$0x1] =	vst.idx.msk $0xffff, v5  }
0xb2: {  	v5 =	vld.idx.msk [tilespmem:v4+s16+$0x40 ss:$0x1], $0xffff;
	_ =	sdelay $0x4  }
0xb3: {  	v5 =	vadd.f32 v5, v5;
	_ =	sdelay $0x1  }
0xb4: {  	[tilespmem:v4+s16+$0x40 ss:$0x1] =	vst.idx.msk $0xffff, v5  }
0xb5: {  	v5 =	vld.idx.msk [tilespmem:v4+s16+$0x50 ss:$0x1], $0xffff;
	_ =	sdelay $0x4  }
0xb6: {  	v5 =	vadd.f32 v5, v5;
	_ =	sdelay $0x1  }
0xb7: {  	[tilespmem:v4+s16+$0x50 ss:$0x1] =	vst.idx.msk $0xffff, v5  }
0xb8: {  	v5 =	vld.idx.msk [tilespmem:v4+s16+$0x60 ss:$0x1], $0xffff;
	_ =	sdelay $0x4  }
0xb9: {  	v5 =	vadd.f32 v5, v5;
	_ =	sdelay $0x1  }
0xba: {  	[tilespmem:v4+s16+$0x60 ss:$0x1] =	vst.idx.msk $0xffff, v5  }
0xbb: {  	v5 =	vld.idx.msk [tilespmem:v4+s16+$0x70 ss:$0x1], $0xffff;
	_ =	sdelay $0x2  }
.Ltmp7:
0xbc: {  	_ = 	snop;
	(pc) =	sbr.rel .LBB2_11-.Ltmp7, $3  }
0xbd: {  	_ = 	snop  }
0xbe: {  	v5 =	vadd.f32 v5, v5;
	_ =	sdelay $0x1  }
0xbf: {  	[tilespmem:v4+s16+$0x70 ss:$0x1] =	vst.idx.msk $0xffff, v5  }
.LBB2_12:
0xc0: {  	s12 =	simm.s32 $0x0  }
0xc1: {  	v7 =	vld [tilespmem:s12+$0xFC00]  }
0xc2: {  	v9 =	vld [tilespmem:s12+$0xFC10]  }
0xc3: {  	v8 =	vld [tilespmem:s12+$0xFC20]  }
0xc4: {  	v6 =	vld [tilespmem:s12+$0xFC30]  }
0xc5: {  	v4 =	vld [tilespmem:s12+$0xFC40]  }
0xc6: {  	v5 =	vld [tilespmem:s12+$0xFC50];
	v10 =	vadd.f32 v7, v7  }
0xc7: {  	s13 =	simm.s32 $0x200;
	v9 =	vadd.f32 v9, v9;
	v7 =	vld [tilespmem:s12+$0xFC60]  }
.LBB2_13:
0xc8: {  	s14 =	sshra.s32 s13, $0x2;
	p0 =	sne.s32 s13, $0xE00;
	[tilespmem:s12+$0xFC00] =	vst v10;
	v8 =	vadd.f32 v8, v8;
	v10 =	vld [tilespmem:s12+$0xFC70]  }
0xc9: {  	v11 =	vld [tilespmem:s14+$0xFC00];
	[tilespmem:s12+$0xFC10] =	vst v9;
	v6 =	vadd.f32 v6, v6  }
0xca: {  	v9 =	vld [tilespmem:s14+$0xFC10];
	[tilespmem:s12+$0xFC20] =	vst v8;
	v4 =	vadd.f32 v4, v4  }
.Ltmp8:
0xcb: {  	v8 =	vld [tilespmem:s14+$0xFC20];
	[tilespmem:s12+$0xFC30] =	vst v6;
	v5 =	vadd.f32 v5, v5;
	(pc) =	sbr.rel @p0 .LBB2_13-.Ltmp8, $4  }
0xcc: {  	v6 =	vld [tilespmem:s14+$0xFC30];
	[tilespmem:s12+$0xFC40] =	vst v4;
	v7 =	vadd.f32 v7, v7  }
0xcd: {  	v4 =	vld [tilespmem:s14+$0xFC40];
	[tilespmem:s12+$0xFC50] =	vst v5;
	v12 =	vadd.f32 v10, v10  }
0xce: {  	v10 =	vadd.f32 v11, v11;
	v5 =	vld [tilespmem:s14+$0xFC50];
	[tilespmem:s12+$0xFC60] =	vst v7  }
0xcf: {  	s13 =	sadd.s32 $0x200, s13;
	v9 =	vadd.f32 v9, v9;
	v7 =	vld [tilespmem:s14+$0xFC60];
	[tilespmem:s12+$0xFC70] =	vst v12;
	s12 =	smov.u32 s14  }
0xd0: {  	[tilespmem:s12+$0xFC00] =	vst v10;
	v8 =	vadd.f32 v8, v8;
	v63 =	vld [tilespmem:s12+$0xFC70]  }
0xd1: {  	[tilespmem:s12+$0xFC10] =	vst v9;
	v6 =	vadd.f32 v6, v6  }
0xd2: {  	[tilespmem:s12+$0xFC20] =	vst v8;
	v4 =	vadd.f32 v4, v4  }
0xd3: {  	[tilespmem:s12+$0xFC30] =	vst v6;
	v5 =	vadd.f32 v5, v5  }
0xd4: {  	[tilespmem:s12+$0xFC40] =	vst v4;
	v4 =	vadd.f32 v7, v7  }
0xd5: {  	s11 =	sadd.s32 $0x1, s11;
	[tilespmem:s12+$0xFC50] =	vst v5;
	v5 =	vadd.f32 v63, v63  }
0xd6: {  	p0 =	sne.s32 s11, s6;
	[tilespmem:s12+$0xFC60] =	vst v4  }
.Ltmp9:
0xd7: {  	[tilespmem:s12+$0xFC70] =	vst v5;
	(pc) =	sbr.rel @p0 .LBB2_1-.Ltmp9, $4  }
0xd8: {  	[hbm4b:s5+s3] =	stream.linear.scatter [tilespmem:s10], [sflag:$0x2], $0x8000, $0x38;
	[tilespmem:$0x10000] =	vst v63  }
0xd9: {  	_ =	swait.ge [sflag:s7], $0x8000  }
0xda: {  	[sflag:s7] =	ssyncset.done $0x0  }
0xdb: {  	[sflag:s7] =	ssyncadd.s32 $0xFFFF8000  }
0xdc: {  	_ =	sfence.sel $0x180000  }
0xdd: {  	[bflag:$0x0] =	sbarrier.arrive $0xFFFF  }
0xde: {  	p0 =	sne.s32 s2, $0x0;
	_ =	strace $0x90000047  }
0xdf: {  	s0 =	sadd.s32 @!p0 $0x100000, s0;
	[bflag:$0x2] =	sbarrier.arrive $0xFFFF  }
0xe0: {  	[sflag:s0] =	ssyncadd.tile.s32 @!p0 $0x1;
	_ =	shalt  }
.Lfunc_end2:
_tile_overlayer_lowered:
.L_overlay_start_2:
0xe1: {  	(tag) =	ssettag $0x2  }
0xe2: {  	s0 =	rddreg [dreg:$0x0];
	s2 =	stileid.u32  }
0xe3: {  	s1 =	rddreg [dreg:$0x1];
	p0 =	sne.s32 s2, $0x0  }
0xe4: {  	s3 =	rddreg [dreg:$0x2];
	[bflag:$0x3] =	sbarrier.arrive $0xFFFF;
	s2 =	simm.s32 @!p0 $0x1C02  }
0xe5: {  	[timem:s3], [sflag:s2] =	dma.local @!p0 [hbm:s0], s1  }
0xe6: {  	s0 =	simm.s32 @!p0 $0x2  }
0xe7: {  	_ =	swait.ge @!p0 [sflag:s0], s1  }
0xe8: {  	s1 =	ssub.s32 @!p0 $0x0, s1;
	[sflag:s0] =	ssyncset.done @!p0 $0x0  }
0xe9: {  	[sflag:s0] =	ssyncadd.s32 @!p0 s1  }
0xea: {  	[bflag:$0x3] =	sbarrier.arrive $0xFFFF  }
0xeb: {  	_ =	shalt  }

</sc_bundles>
